<compile_context>
chip_gen: v7x
topology: tpu7x:2x2x1
jax: 0.10.2.dev20260603
libtpu: 0.0.44.dev20260713+nightly
codegen_flags: <defaults>
</compile_context>

<pallas_src>
import functools

import jax
import jax.numpy as jnp
from jax import lax
from jax.experimental import pallas as pl
from jax.experimental.pallas import tpu as pltpu
from jax.experimental.pallas import tpu_sc as plsc

HIDDEN = 768
EXPERTS = 64
TOKENS = 4 * 8192
SEQ_PER_B = 8192
CHUNK_SIZES = (32768,)
TC_BLK = 4096
GRP = 16
NW = 32
CAND = 4


def _tc_body(x_ref, w_ref, b_ref, key_ref, s_ref):
    xb = x_ref[0]
    w = w_ref[...]
    lg = lax.dot_general(w, xb, (((1,), (1,)), ((), ())),
                         preferred_element_type=jnp.float32)
    lg = lg + b_ref[...]
    m = jnp.max(lg, axis=0, keepdims=True)
    s = jnp.sum(jnp.exp(lg - m), axis=0, keepdims=True)
    u = lax.bitcast_convert_type(lg, jnp.int32)
    key = u ^ ((u >> 31) & jnp.int32(0x7FFFFFFF))
    iota = lax.broadcasted_iota(jnp.int32, (EXPERTS, TC_BLK), 0)
    g = EXPERTS // 2
    a, bk = key[:g], key[g:]
    ia, ib = iota[:g], iota[g:]
    p = a >= bk
    m1 = jnp.where(p, a, bk)
    mi1 = jnp.where(p, ia, ib)
    m2 = jnp.where(p, bk, a)
    mi2 = jnp.where(p, ib, ia)
    while g > CAND // 2:
        g //= 2
        a1, b1 = m1[:g], m1[g:]
        ai1, bi1 = mi1[:g], mi1[g:]
        a2, b2 = m2[:g], m2[g:]
        ai2, bi2 = mi2[:g], mi2[g:]
        p = (a1 > b1) | ((a1 == b1) & (ai1 < bi1))
        w1 = jnp.where(p, a1, b1)
        wi1 = jnp.where(p, ai1, bi1)
        l1 = jnp.where(p, b1, a1)
        li1 = jnp.where(p, bi1, ai1)
        q = (a2 > b2) | ((a2 == b2) & (ai2 < bi2))
        w2 = jnp.where(q, a2, b2)
        wi2 = jnp.where(q, ai2, bi2)
        r = (l1 > w2) | ((l1 == w2) & (li1 < wi2))
        m1, mi1 = w1, wi1
        m2 = jnp.where(r, l1, w2)
        mi2 = jnp.where(r, li1, wi2)
    key_ref[...] = jnp.concatenate([m1, m2, mi1, mi2], axis=0)
    s_ref[...] = s


def _make_tc_project(offset, ct):
    off = offset // TC_BLK
    nb = SEQ_PER_B // TC_BLK
    return pl.pallas_call(
        _tc_body,
        grid=(ct // TC_BLK,),
        in_specs=[
            pl.BlockSpec((1, TC_BLK, HIDDEN),
                         lambda i: ((i + off) // nb, (i + off) % nb, 0)),
            pl.BlockSpec((EXPERTS, HIDDEN), lambda i: (0, 0)),
            pl.BlockSpec((EXPERTS, 1), lambda i: (0, 0)),
        ],
        out_specs=[
            pl.BlockSpec((2 * CAND, TC_BLK), lambda i: (0, i)),
            pl.BlockSpec((1, TC_BLK), lambda i: (0, i)),
        ],
        out_shape=[
            jax.ShapeDtypeStruct((2 * CAND, ct), jnp.int32),
            jax.ShapeDtypeStruct((1, ct), jnp.float32),
        ],
        compiler_params=pltpu.CompilerParams(
            dimension_semantics=("arbitrary",)),
    )


def _unkey(k):
    u = k ^ ((k >> 31) & jnp.int32(0x7FFFFFFF))
    return lax.bitcast_convert_type(u, jnp.float32)


def _make_sc_top2(ct):
    tpw = ct // NW

    @functools.partial(
        pl.kernel,
        mesh=plsc.VectorSubcoreMesh(core_axis_name="c", subcore_axis_name="s"),
        out_type=[
            jax.ShapeDtypeStruct((2, ct), jnp.float32),
            jax.ShapeDtypeStruct((2, ct), jnp.int32),
        ],
        scratch_types=[
            pltpu.VMEM((2 * CAND, tpw), jnp.int32),
            pltpu.VMEM((1, tpw), jnp.float32),
            pltpu.VMEM((2, tpw), jnp.float32),
            pltpu.VMEM((2, tpw), jnp.int32),
        ],
    )
    def _sc_top2(key_hbm, s_hbm, g_hbm, i_hbm, key_v, s_v, g_v, i_v):
        wid = lax.axis_index("s") * 2 + lax.axis_index("c")
        base = wid * tpw
        pltpu.sync_copy(key_hbm.at[:, pl.ds(base, tpw)], key_v)
        pltpu.sync_copy(s_hbm.at[:, pl.ds(base, tpw)], s_v)

        def group(g, carry):
            ts = g * GRP
            m1 = jnp.full((GRP,), jnp.int32(-2147483648))
            m2 = m1
            i1 = jnp.zeros((GRP,), jnp.int32)
            i2 = i1
            for e in range(CAND):
                v = key_v[e, pl.ds(ts, GRP)]
                vi = key_v[CAND + e, pl.ds(ts, GRP)]
                b1 = (v > m1) | ((v == m1) & (vi < i1))
                b2 = (v > m2) | ((v == m2) & (vi < i2))
                m2 = jnp.where(b1, m1, jnp.where(b2, v, m2))
                i2 = jnp.where(b1, i1, jnp.where(b2, vi, i2))
                m1 = jnp.where(b1, v, m1)
                i1 = jnp.where(b1, vi, i1)
            v1 = _unkey(m1)
            v2 = _unkey(m2)
            inv = 1.0 / s_v[0, pl.ds(ts, GRP)]
            g2 = jnp.exp(v2 - v1) * inv
            g_v[0, pl.ds(ts, GRP)] = inv
            g_v[1, pl.ds(ts, GRP)] = g2
            i_v[0, pl.ds(ts, GRP)] = i1
            i_v[1, pl.ds(ts, GRP)] = i2
            return carry

        lax.fori_loop(0, tpw // GRP, group, 0)
        pltpu.sync_copy(g_v, g_hbm.at[:, pl.ds(base, tpw)])
        pltpu.sync_copy(i_v, i_hbm.at[:, pl.ds(base, tpw)])

    return _sc_top2


_offsets = [sum(CHUNK_SIZES[:c]) for c in range(len(CHUNK_SIZES))]
_tc_projects = [_make_tc_project(o, ct) for o, ct in zip(_offsets, CHUNK_SIZES)]
_sc_top2s = [_make_sc_top2(ct) for ct in CHUNK_SIZES]


def kernel(x, W, b):
    b2 = b.reshape(EXPERTS, 1)
    gs, js = [], []
    for c in range(len(CHUNK_SIZES)):
        kt, s = _tc_projects[c](x, W, b2)
        g, i = _sc_top2s[c](kt, s)
        gs.append(g.T)
        js.append(i.T)
    g = jnp.concatenate(gs, axis=0) if len(gs) > 1 else gs[0]
    i = jnp.concatenate(js, axis=0) if len(js) > 1 else js[0]
    bsz, seq = x.shape[0], x.shape[1]
    return g.reshape(bsz, seq, 2), i.reshape(bsz, seq, 2)

# --- scband reference (transcript-rebuilt; emitter-appended) ---
"""Pipeline reference for scband-router-30872224924368 (READ-ONLY COPY).

The authoritative reference and input builder live on the scoring server;
editing this copy changes nothing except your own understanding.
"""

import jax, jax.numpy as jnp
import numpy as np

HIDDEN_DIM = 768
NUM_EXPERTS = 64
TOP_K = 2

def setup_inputs(seed: int = 0) -> dict:
    key = jax.random.key(seed)
    k1, k2, k3 = jax.random.split(key, 3)
    x = jax.random.normal(k1, (4, 8192, HIDDEN_DIM), dtype=jnp.float32)
    # nn.Linear(hidden_dim, num_experts): weight [num_experts, hidden_dim], bias [num_experts]
    bound = 1.0 / np.sqrt(HIDDEN_DIM)
    W = jax.random.uniform(k2, (NUM_EXPERTS, HIDDEN_DIM), dtype=jnp.float32, minval=-bound, maxval=bound)
    b = jax.random.uniform(k3, (NUM_EXPERTS,), dtype=jnp.float32, minval=-bound, maxval=bound)
    return {"x": x, "W": W, "b": b}

def reference(x, W, b):
    # router_logits = Linear(x) -> x @ W.T + b
    router_logits = jnp.einsum('bsh,eh->bse', x, W) + b
    gates = jax.nn.softmax(router_logits, axis=-1)
    top_k_gates, top_k_indices = jax.lax.top_k(gates, TOP_K)
    return (top_k_gates, top_k_indices)

if __name__ == "__main__":
    import jax
    _d = setup_inputs()
    print(jax.jit(kernel)(*tuple(_d.values())))

</pallas_src>

<mosaic_0001>
#map = affine_map<(d0, d1) -> (0, 0)>
module attributes {stable_mosaic.version = 14 : i64} {
  func.func @_sc_top2(%arg0: i32, %arg1: i32, %arg2: memref<8x32768xi32, #tpu.memory_space<hbm>>, %arg3: memref<1x32768xf32, #tpu.memory_space<hbm>>, %arg4: memref<2x32768xf32, #tpu.memory_space<hbm>>, %arg5: memref<2x32768xi32, #tpu.memory_space<hbm>>, %arg6: memref<8x1024xi32, #tpu.memory_space<vmem>>, %arg7: memref<1x1024xf32, #tpu.memory_space<vmem>>, %arg8: memref<2x1024xf32, #tpu.memory_space<vmem>>, %arg9: memref<2x1024xi32, #tpu.memory_space<vmem>>) attributes {dimension_semantics = [#tpu.dimension_semantics<core_parallel>, #tpu.dimension_semantics<subcore_parallel>], iteration_bounds = array<i64: 2, 16>, scalar_prefetch = 0 : i64, scratch_operands = 4 : i64, tpu.core_type = #tpu.core_type<sc_vector_subcore>, window_params = [{transform_indices = #map}, {transform_indices = #map}, {transform_indices = #map}, {transform_indices = #map}]} {
    %mul3A = arith.constant 2 : i32
    %mul3A_0 = arith.muli %arg1, %mul3A : i32
    %add3A = arith.addi %mul3A_0, %arg0 : i32
    %mul3A_1 = arith.constant 1024 : i32
    %mul3A_2 = arith.muli %add3A, %mul3A_1 : i32
    "tpu.region"() ({
      %run_scoped3A = tpu.sem_alloc : memref<!tpu.dma_semaphore, #tpu.memory_space<semaphore_mem>>
      %dma_start3A = arith.constant 0 : i32
      %dma_start3A_8 = tpu.memref_slice %arg2[%dma_start3A, %mul3A_2] : memref<8x32768xi32, #tpu.memory_space<hbm>> -> memref<8x1024xi32, #tpu.memory_space<hbm>>
      %dma_start3A_9 = arith.constant 0 : i32
      %dma_start3A_10 = tpu.memref_slice %arg2[%dma_start3A_9, %mul3A_2] : memref<8x32768xi32, #tpu.memory_space<hbm>> -> memref<8x1024xi32, #tpu.memory_space<hbm>>
      tpu.enqueue_dma source(%dma_start3A_10 : memref<8x1024xi32, #tpu.memory_space<hbm>>) target(%arg6 : memref<8x1024xi32, #tpu.memory_space<vmem>>) target_semaphore(%run_scoped3A : memref<!tpu.dma_semaphore, #tpu.memory_space<semaphore_mem>>)
      %dma_wait3A = arith.constant 0 : i32
      %dma_wait3A_11 = tpu.memref_slice %arg2[%dma_wait3A, %mul3A_2] : memref<8x32768xi32, #tpu.memory_space<hbm>> -> memref<8x1024xi32, #tpu.memory_space<hbm>>
      %dma_wait3A_12 = arith.constant 0 : i32
      %dma_wait3A_13 = tpu.memref_slice %arg2[%dma_wait3A_12, %mul3A_2] : memref<8x32768xi32, #tpu.memory_space<hbm>> -> memref<8x1024xi32, #tpu.memory_space<hbm>>
      tpu.wait_dma2 semaphore(%run_scoped3A : memref<!tpu.dma_semaphore, #tpu.memory_space<semaphore_mem>>) src(%dma_wait3A_13 : memref<8x1024xi32, #tpu.memory_space<hbm>>) dst(%arg6 : memref<8x1024xi32, #tpu.memory_space<vmem>>)
      tpu.yield
    }) : () -> ()
    "tpu.region"() ({
      %run_scoped3A = tpu.sem_alloc : memref<!tpu.dma_semaphore, #tpu.memory_space<semaphore_mem>>
      %dma_start3A = arith.constant 0 : i32
      %dma_start3A_8 = tpu.memref_slice %arg3[%dma_start3A, %mul3A_2] : memref<1x32768xf32, #tpu.memory_space<hbm>> -> memref<1x1024xf32, #tpu.memory_space<hbm>>
      %dma_start3A_9 = arith.constant 0 : i32
      %dma_start3A_10 = tpu.memref_slice %arg3[%dma_start3A_9, %mul3A_2] : memref<1x32768xf32, #tpu.memory_space<hbm>> -> memref<1x1024xf32, #tpu.memory_space<hbm>>
      tpu.enqueue_dma source(%dma_start3A_10 : memref<1x1024xf32, #tpu.memory_space<hbm>>) target(%arg7 : memref<1x1024xf32, #tpu.memory_space<vmem>>) target_semaphore(%run_scoped3A : memref<!tpu.dma_semaphore, #tpu.memory_space<semaphore_mem>>)
      %dma_wait3A = arith.constant 0 : i32
      %dma_wait3A_11 = tpu.memref_slice %arg3[%dma_wait3A, %mul3A_2] : memref<1x32768xf32, #tpu.memory_space<hbm>> -> memref<1x1024xf32, #tpu.memory_space<hbm>>
      %dma_wait3A_12 = arith.constant 0 : i32
      %dma_wait3A_13 = tpu.memref_slice %arg3[%dma_wait3A_12, %mul3A_2] : memref<1x32768xf32, #tpu.memory_space<hbm>> -> memref<1x1024xf32, #tpu.memory_space<hbm>>
      tpu.wait_dma2 semaphore(%run_scoped3A : memref<!tpu.dma_semaphore, #tpu.memory_space<semaphore_mem>>) src(%dma_wait3A_13 : memref<1x1024xf32, #tpu.memory_space<hbm>>) dst(%arg7 : memref<1x1024xf32, #tpu.memory_space<vmem>>)
      tpu.yield
    }) : () -> ()
    %scan3A = arith.constant 0 : i32
    %scan3A_3 = arith.constant 0 : i32
    %scan3A_4 = arith.constant 64 : i32
    %scan3A_5 = arith.addi %scan3A_3, %scan3A_4 : i32
    %scan3A_6 = arith.constant 1 : i32
    scf.for %scan3A_8 = %scan3A_3 to %scan3A_5 step %scan3A_6  : i32 {
      %mul3A_9 = arith.constant 16 : i32
      %mul3A_10 = arith.muli %scan3A_8, %mul3A_9 : i32
      %broadcast_in_dim3A = arith.constant -2147483648 : i32
      %broadcast_in_dim3A_11 = vector.broadcast %broadcast_in_dim3A : i32 to vector<16xi32>
      %broadcast_in_dim3A_12 = arith.constant 0 : i32
      %broadcast_in_dim3A_13 = vector.broadcast %broadcast_in_dim3A_12 : i32 to vector<16xi32>
      %get3A = arith.constant 0 : i32
      %get3A_14 = arith.index_cast %get3A : i32 to index
      %get3A_15 = arith.index_cast %mul3A_10 : i32 to index
      %get3A_16 = tpu.vector_load %arg6[%get3A_14, %get3A_15] {strides = array<i32>} : memref<8x1024xi32, #tpu.memory_space<vmem>>, vector<1x16xi32>,
      %get3A_17 = vector.shape_cast %get3A_16 : vector<1x16xi32> to vector<16xi32>
      %get3A_18 = arith.constant 4 : i32
      %get3A_19 = arith.index_cast %get3A_18 : i32 to index
      %get3A_20 = arith.index_cast %mul3A_10 : i32 to index
      %get3A_21 = tpu.vector_load %arg6[%get3A_19, %get3A_20] {strides = array<i32>} : memref<8x1024xi32, #tpu.memory_space<vmem>>, vector<1x16xi32>,
      %get3A_22 = vector.shape_cast %get3A_21 : vector<1x16xi32> to vector<16xi32>
      %gt3A = arith.cmpi sgt, %get3A_17, %broadcast_in_dim3A_11 : vector<16xi32>
      %eq3A = arith.cmpi eq, %get3A_17, %broadcast_in_dim3A_11 : vector<16xi32>
      %lt3A = arith.cmpi slt, %get3A_22, %broadcast_in_dim3A_13 : vector<16xi32>
      %and3A = arith.andi %eq3A, %lt3A : vector<16xi1>
      %or3A = arith.ori %gt3A, %and3A : vector<16xi1>
      %gt3A_23 = arith.cmpi sgt, %get3A_17, %broadcast_in_dim3A_11 : vector<16xi32>
      %eq3A_24 = arith.cmpi eq, %get3A_17, %broadcast_in_dim3A_11 : vector<16xi32>
      %lt3A_25 = arith.cmpi slt, %get3A_22, %broadcast_in_dim3A_13 : vector<16xi32>
      %and3A_26 = arith.andi %eq3A_24, %lt3A_25 : vector<16xi1>
      %or3A_27 = arith.ori %gt3A_23, %and3A_26 : vector<16xi1>
      %select_n3A = arith.select %or3A_27, %get3A_17, %broadcast_in_dim3A_11 : vector<16xi1>, vector<16xi32>
      %select_n3A_28 = arith.select %or3A, %broadcast_in_dim3A_11, %select_n3A : vector<16xi1>, vector<16xi32>
      %select_n3A_29 = arith.select %or3A_27, %get3A_22, %broadcast_in_dim3A_13 : vector<16xi1>, vector<16xi32>
      %select_n3A_30 = arith.select %or3A, %broadcast_in_dim3A_13, %select_n3A_29 : vector<16xi1>, vector<16xi32>
      %select_n3A_31 = arith.select %or3A, %get3A_17, %broadcast_in_dim3A_11 : vector<16xi1>, vector<16xi32>
      %select_n3A_32 = arith.select %or3A, %get3A_22, %broadcast_in_dim3A_13 : vector<16xi1>, vector<16xi32>
      %get3A_33 = arith.constant 1 : i32
      %get3A_34 = arith.index_cast %get3A_33 : i32 to index
      %get3A_35 = arith.index_cast %mul3A_10 : i32 to index
      %get3A_36 = tpu.vector_load %arg6[%get3A_34, %get3A_35] {strides = array<i32>} : memref<8x1024xi32, #tpu.memory_space<vmem>>, vector<1x16xi32>,
      %get3A_37 = vector.shape_cast %get3A_36 : vector<1x16xi32> to vector<16xi32>
      %get3A_38 = arith.constant 5 : i32
      %get3A_39 = arith.index_cast %get3A_38 : i32 to index
      %get3A_40 = arith.index_cast %mul3A_10 : i32 to index
      %get3A_41 = tpu.vector_load %arg6[%get3A_39, %get3A_40] {strides = array<i32>} : memref<8x1024xi32, #tpu.memory_space<vmem>>, vector<1x16xi32>,
      %get3A_42 = vector.shape_cast %get3A_41 : vector<1x16xi32> to vector<16xi32>
      %gt3A_43 = arith.cmpi sgt, %get3A_37, %select_n3A_31 : vector<16xi32>
      %eq3A_44 = arith.cmpi eq, %get3A_37, %select_n3A_31 : vector<16xi32>
      %lt3A_45 = arith.cmpi slt, %get3A_42, %select_n3A_32 : vector<16xi32>
      %and3A_46 = arith.andi %eq3A_44, %lt3A_45 : vector<16xi1>
      %or3A_47 = arith.ori %gt3A_43, %and3A_46 : vector<16xi1>
      %gt3A_48 = arith.cmpi sgt, %get3A_37, %select_n3A_28 : vector<16xi32>
      %eq3A_49 = arith.cmpi eq, %get3A_37, %select_n3A_28 : vector<16xi32>
      %lt3A_50 = arith.cmpi slt, %get3A_42, %select_n3A_30 : vector<16xi32>
      %and3A_51 = arith.andi %eq3A_49, %lt3A_50 : vector<16xi1>
      %or3A_52 = arith.ori %gt3A_48, %and3A_51 : vector<16xi1>
      %select_n3A_53 = arith.select %or3A_52, %get3A_37, %select_n3A_28 : vector<16xi1>, vector<16xi32>
      %select_n3A_54 = arith.select %or3A_47, %select_n3A_31, %select_n3A_53 : vector<16xi1>, vector<16xi32>
      %select_n3A_55 = arith.select %or3A_52, %get3A_42, %select_n3A_30 : vector<16xi1>, vector<16xi32>
      %select_n3A_56 = arith.select %or3A_47, %select_n3A_32, %select_n3A_55 : vector<16xi1>, vector<16xi32>
      %select_n3A_57 = arith.select %or3A_47, %get3A_37, %select_n3A_31 : vector<16xi1>, vector<16xi32>
      %select_n3A_58 = arith.select %or3A_47, %get3A_42, %select_n3A_32 : vector<16xi1>, vector<16xi32>
      %get3A_59 = arith.constant 2 : i32
      %get3A_60 = arith.index_cast %get3A_59 : i32 to index
      %get3A_61 = arith.index_cast %mul3A_10 : i32 to index
      %get3A_62 = tpu.vector_load %arg6[%get3A_60, %get3A_61] {strides = array<i32>} : memref<8x1024xi32, #tpu.memory_space<vmem>>, vector<1x16xi32>,
      %get3A_63 = vector.shape_cast %get3A_62 : vector<1x16xi32> to vector<16xi32>
      %get3A_64 = arith.constant 6 : i32
      %get3A_65 = arith.index_cast %get3A_64 : i32 to index
      %get3A_66 = arith.index_cast %mul3A_10 : i32 to index
      %get3A_67 = tpu.vector_load %arg6[%get3A_65, %get3A_66] {strides = array<i32>} : memref<8x1024xi32, #tpu.memory_space<vmem>>, vector<1x16xi32>,
      %get3A_68 = vector.shape_cast %get3A_67 : vector<1x16xi32> to vector<16xi32>
      %gt3A_69 = arith.cmpi sgt, %get3A_63, %select_n3A_57 : vector<16xi32>
      %eq3A_70 = arith.cmpi eq, %get3A_63, %select_n3A_57 : vector<16xi32>
      %lt3A_71 = arith.cmpi slt, %get3A_68, %select_n3A_58 : vector<16xi32>
      %and3A_72 = arith.andi %eq3A_70, %lt3A_71 : vector<16xi1>
      %or3A_73 = arith.ori %gt3A_69, %and3A_72 : vector<16xi1>
      %gt3A_74 = arith.cmpi sgt, %get3A_63, %select_n3A_54 : vector<16xi32>
      %eq3A_75 = arith.cmpi eq, %get3A_63, %select_n3A_54 : vector<16xi32>
      %lt3A_76 = arith.cmpi slt, %get3A_68, %select_n3A_56 : vector<16xi32>
      %and3A_77 = arith.andi %eq3A_75, %lt3A_76 : vector<16xi1>
      %or3A_78 = arith.ori %gt3A_74, %and3A_77 : vector<16xi1>
      %select_n3A_79 = arith.select %or3A_78, %get3A_63, %select_n3A_54 : vector<16xi1>, vector<16xi32>
      %select_n3A_80 = arith.select %or3A_73, %select_n3A_57, %select_n3A_79 : vector<16xi1>, vector<16xi32>
      %select_n3A_81 = arith.select %or3A_78, %get3A_68, %select_n3A_56 : vector<16xi1>, vector<16xi32>
      %select_n3A_82 = arith.select %or3A_73, %select_n3A_58, %select_n3A_81 : vector<16xi1>, vector<16xi32>
      %select_n3A_83 = arith.select %or3A_73, %get3A_63, %select_n3A_57 : vector<16xi1>, vector<16xi32>
      %select_n3A_84 = arith.select %or3A_73, %get3A_68, %select_n3A_58 : vector<16xi1>, vector<16xi32>
      %get3A_85 = arith.constant 3 : i32
      %get3A_86 = arith.index_cast %get3A_85 : i32 to index
      %get3A_87 = arith.index_cast %mul3A_10 : i32 to index
      %get3A_88 = tpu.vector_load %arg6[%get3A_86, %get3A_87] {strides = array<i32>} : memref<8x1024xi32, #tpu.memory_space<vmem>>, vector<1x16xi32>,
      %get3A_89 = vector.shape_cast %get3A_88 : vector<1x16xi32> to vector<16xi32>
      %get3A_90 = arith.constant 7 : i32
      %get3A_91 = arith.index_cast %get3A_90 : i32 to index
      %get3A_92 = arith.index_cast %mul3A_10 : i32 to index
      %get3A_93 = tpu.vector_load %arg6[%get3A_91, %get3A_92] {strides = array<i32>} : memref<8x1024xi32, #tpu.memory_space<vmem>>, vector<1x16xi32>,
      %get3A_94 = vector.shape_cast %get3A_93 : vector<1x16xi32> to vector<16xi32>
      %gt3A_95 = arith.cmpi sgt, %get3A_89, %select_n3A_83 : vector<16xi32>
      %eq3A_96 = arith.cmpi eq, %get3A_89, %select_n3A_83 : vector<16xi32>
      %lt3A_97 = arith.cmpi slt, %get3A_94, %select_n3A_84 : vector<16xi32>
      %and3A_98 = arith.andi %eq3A_96, %lt3A_97 : vector<16xi1>
      %or3A_99 = arith.ori %gt3A_95, %and3A_98 : vector<16xi1>
      %gt3A_100 = arith.cmpi sgt, %get3A_89, %select_n3A_80 : vector<16xi32>
      %eq3A_101 = arith.cmpi eq, %get3A_89, %select_n3A_80 : vector<16xi32>
      %lt3A_102 = arith.cmpi slt, %get3A_94, %select_n3A_82 : vector<16xi32>
      %and3A_103 = arith.andi %eq3A_101, %lt3A_102 : vector<16xi1>
      %or3A_104 = arith.ori %gt3A_100, %and3A_103 : vector<16xi1>
      %select_n3A_105 = arith.select %or3A_104, %get3A_89, %select_n3A_80 : vector<16xi1>, vector<16xi32>
      %select_n3A_106 = arith.select %or3A_99, %select_n3A_83, %select_n3A_105 : vector<16xi1>, vector<16xi32>
      %select_n3A_107 = arith.select %or3A_104, %get3A_94, %select_n3A_82 : vector<16xi1>, vector<16xi32>
      %select_n3A_108 = arith.select %or3A_99, %select_n3A_84, %select_n3A_107 : vector<16xi1>, vector<16xi32>
      %select_n3A_109 = arith.select %or3A_99, %get3A_89, %select_n3A_83 : vector<16xi1>, vector<16xi32>
      %select_n3A_110 = arith.select %or3A_99, %get3A_94, %select_n3A_84 : vector<16xi1>, vector<16xi32>
      %shift_right_arithmetic3A = arith.constant 31 : i32
      %shift_right_arithmetic3A_111 = vector.broadcast %shift_right_arithmetic3A : i32 to vector<16xi32>
      %shift_right_arithmetic3A_112 = arith.shrsi %select_n3A_109, %shift_right_arithmetic3A_111 : vector<16xi32>
      %and3A_113 = arith.constant 2147483647 : i32
      %and3A_114 = vector.broadcast %and3A_113 : i32 to vector<16xi32>
      %and3A_115 = arith.andi %shift_right_arithmetic3A_112, %and3A_114 : vector<16xi32>
      %xor3A = arith.xori %select_n3A_109, %and3A_115 : vector<16xi32>
      %bitcast_convert_type3A = tpu.bitcast %xor3A : vector<16xi32> -> vector<16xf32>
      %shift_right_arithmetic3A_116 = arith.constant 31 : i32
      %shift_right_arithmetic3A_117 = vector.broadcast %shift_right_arithmetic3A_116 : i32 to vector<16xi32>
      %shift_right_arithmetic3A_118 = arith.shrsi %select_n3A_106, %shift_right_arithmetic3A_117 : vector<16xi32>
      %and3A_119 = arith.constant 2147483647 : i32
      %and3A_120 = vector.broadcast %and3A_119 : i32 to vector<16xi32>
      %and3A_121 = arith.andi %shift_right_arithmetic3A_118, %and3A_120 : vector<16xi32>
      %xor3A_122 = arith.xori %select_n3A_106, %and3A_121 : vector<16xi32>
      %bitcast_convert_type3A_123 = tpu.bitcast %xor3A_122 : vector<16xi32> -> vector<16xf32>
      %get3A_124 = arith.constant 0 : i32
      %get3A_125 = arith.index_cast %get3A_124 : i32 to index
      %get3A_126 = arith.index_cast %mul3A_10 : i32 to index
      %get3A_127 = tpu.vector_load %arg7[%get3A_125, %get3A_126] {strides = array<i32>} : memref<1x1024xf32, #tpu.memory_space<vmem>>, vector<1x16xf32>,
      %get3A_128 = vector.shape_cast %get3A_127 : vector<1x16xf32> to vector<16xf32>
      %div3A = arith.constant 1.000000e+00 : f32
      %div3A_129 = vector.broadcast %div3A : f32 to vector<16xf32>
      %div3A_130 = arith.divf %div3A_129, %get3A_128 : vector<16xf32>
      %sub3A = arith.subf %bitcast_convert_type3A_123, %bitcast_convert_type3A : vector<16xf32>
      %exp3A = math.exp %sub3A : vector<16xf32>
      %mul3A_131 = arith.mulf %exp3A, %div3A_130 : vector<16xf32>
      %swap3A = arith.constant 0 : i32
      %swap3A_132 = arith.index_cast %swap3A : i32 to index
      %swap3A_133 = arith.index_cast %mul3A_10 : i32 to index
      %swap3A_134 = tpu.vector_load %arg8[%swap3A_132, %swap3A_133] {strides = array<i32>} : memref<2x1024xf32, #tpu.memory_space<vmem>>, vector<1x16xf32>,
      %swap3A_135 = vector.shape_cast %swap3A_134 : vector<1x16xf32> to vector<16xf32>
      %swap3A_136 = vector.shape_cast %div3A_130 : vector<16xf32> to vector<1x16xf32>
      tpu.vector_store %arg8[%swap3A_132, %swap3A_133], %swap3A_136 {strides = array<i32>} : memref<2x1024xf32, #tpu.memory_space<vmem>>, vector<1x16xf32>,
      %swap3A_137 = arith.constant 1 : i32
      %swap3A_138 = arith.index_cast %swap3A_137 : i32 to index
      %swap3A_139 = arith.index_cast %mul3A_10 : i32 to index
      %swap3A_140 = tpu.vector_load %arg8[%swap3A_138, %swap3A_139] {strides = array<i32>} : memref<2x1024xf32, #tpu.memory_space<vmem>>, vector<1x16xf32>,
      %swap3A_141 = vector.shape_cast %swap3A_140 : vector<1x16xf32> to vector<16xf32>
      %swap3A_142 = vector.shape_cast %mul3A_131 : vector<16xf32> to vector<1x16xf32>
      tpu.vector_store %arg8[%swap3A_138, %swap3A_139], %swap3A_142 {strides = array<i32>} : memref<2x1024xf32, #tpu.memory_space<vmem>>, vector<1x16xf32>,
      %swap3A_143 = arith.constant 0 : i32
      %swap3A_144 = arith.index_cast %swap3A_143 : i32 to index
      %swap3A_145 = arith.index_cast %mul3A_10 : i32 to index
      %swap3A_146 = tpu.vector_load %arg9[%swap3A_144, %swap3A_145] {strides = array<i32>} : memref<2x1024xi32, #tpu.memory_space<vmem>>, vector<1x16xi32>,
      %swap3A_147 = vector.shape_cast %swap3A_146 : vector<1x16xi32> to vector<16xi32>
      %swap3A_148 = vector.shape_cast %select_n3A_110 : vector<16xi32> to vector<1x16xi32>
      tpu.vector_store %arg9[%swap3A_144, %swap3A_145], %swap3A_148 {strides = array<i32>} : memref<2x1024xi32, #tpu.memory_space<vmem>>, vector<1x16xi32>,
      %swap3A_149 = arith.constant 1 : i32
      %swap3A_150 = arith.index_cast %swap3A_149 : i32 to index
      %swap3A_151 = arith.index_cast %mul3A_10 : i32 to index
      %swap3A_152 = tpu.vector_load %arg9[%swap3A_150, %swap3A_151] {strides = array<i32>} : memref<2x1024xi32, #tpu.memory_space<vmem>>, vector<1x16xi32>,
      %swap3A_153 = vector.shape_cast %swap3A_152 : vector<1x16xi32> to vector<16xi32>
      %swap3A_154 = vector.shape_cast %select_n3A_108 : vector<16xi32> to vector<1x16xi32>
      tpu.vector_store %arg9[%swap3A_150, %swap3A_151], %swap3A_154 {strides = array<i32>} : memref<2x1024xi32, #tpu.memory_space<vmem>>, vector<1x16xi32>,
    }
    %scan3A_7 = arith.constant 64 : i32
    "tpu.region"() ({
      %run_scoped3A = tpu.sem_alloc : memref<!tpu.dma_semaphore, #tpu.memory_space<semaphore_mem>>
      %dma_start3A = arith.constant 0 : i32
      %dma_start3A_8 = tpu.memref_slice %arg4[%dma_start3A, %mul3A_2] : memref<2x32768xf32, #tpu.memory_space<hbm>> -> memref<2x1024xf32, #tpu.memory_space<hbm>>
      %dma_start3A_9 = arith.constant 0 : i32
      %dma_start3A_10 = tpu.memref_slice %arg4[%dma_start3A_9, %mul3A_2] : memref<2x32768xf32, #tpu.memory_space<hbm>> -> memref<2x1024xf32, #tpu.memory_space<hbm>>
      tpu.enqueue_dma source(%arg8 : memref<2x1024xf32, #tpu.memory_space<vmem>>) target(%dma_start3A_10 : memref<2x1024xf32, #tpu.memory_space<hbm>>) target_semaphore(%run_scoped3A : memref<!tpu.dma_semaphore, #tpu.memory_space<semaphore_mem>>)
      %dma_wait3A = arith.constant 0 : i32
      %dma_wait3A_11 = tpu.memref_slice %arg4[%dma_wait3A, %mul3A_2] : memref<2x32768xf32, #tpu.memory_space<hbm>> -> memref<2x1024xf32, #tpu.memory_space<hbm>>
      %dma_wait3A_12 = arith.constant 0 : i32
      %dma_wait3A_13 = tpu.memref_slice %arg4[%dma_wait3A_12, %mul3A_2] : memref<2x32768xf32, #tpu.memory_space<hbm>> -> memref<2x1024xf32, #tpu.memory_space<hbm>>
      tpu.wait_dma2 semaphore(%run_scoped3A : memref<!tpu.dma_semaphore, #tpu.memory_space<semaphore_mem>>) src(%arg8 : memref<2x1024xf32, #tpu.memory_space<vmem>>) dst(%dma_wait3A_13 : memref<2x1024xf32, #tpu.memory_space<hbm>>)
      tpu.yield
    }) : () -> ()
    "tpu.region"() ({
      %run_scoped3A = tpu.sem_alloc : memref<!tpu.dma_semaphore, #tpu.memory_space<semaphore_mem>>
      %dma_start3A = arith.constant 0 : i32
      %dma_start3A_8 = tpu.memref_slice %arg5[%dma_start3A, %mul3A_2] : memref<2x32768xi32, #tpu.memory_space<hbm>> -> memref<2x1024xi32, #tpu.memory_space<hbm>>
      %dma_start3A_9 = arith.constant 0 : i32
      %dma_start3A_10 = tpu.memref_slice %arg5[%dma_start3A_9, %mul3A_2] : memref<2x32768xi32, #tpu.memory_space<hbm>> -> memref<2x1024xi32, #tpu.memory_space<hbm>>
      tpu.enqueue_dma source(%arg9 : memref<2x1024xi32, #tpu.memory_space<vmem>>) target(%dma_start3A_10 : memref<2x1024xi32, #tpu.memory_space<hbm>>) target_semaphore(%run_scoped3A : memref<!tpu.dma_semaphore, #tpu.memory_space<semaphore_mem>>)
      %dma_wait3A = arith.constant 0 : i32
      %dma_wait3A_11 = tpu.memref_slice %arg5[%dma_wait3A, %mul3A_2] : memref<2x32768xi32, #tpu.memory_space<hbm>> -> memref<2x1024xi32, #tpu.memory_space<hbm>>
      %dma_wait3A_12 = arith.constant 0 : i32
      %dma_wait3A_13 = tpu.memref_slice %arg5[%dma_wait3A_12, %mul3A_2] : memref<2x32768xi32, #tpu.memory_space<hbm>> -> memref<2x1024xi32, #tpu.memory_space<hbm>>
      tpu.wait_dma2 semaphore(%run_scoped3A : memref<!tpu.dma_semaphore, #tpu.memory_space<semaphore_mem>>) src(%arg9 : memref<2x1024xi32, #tpu.memory_space<vmem>>) dst(%dma_wait3A_13 : memref<2x1024xi32, #tpu.memory_space<hbm>>)
      tpu.yield
    }) : () -> ()
    return
  }
}

module attributes {stable_mosaic.version = 14 : i64} {
  func.func @_tc_body(%arg0: i32, %arg1: memref<1x4096x768xf32, #tpu.memory_space<vmem>>, %arg2: memref<64x768xf32, #tpu.memory_space<vmem>>, %arg3: memref<64x1xf32, #tpu.memory_space<vmem>>, %arg4: memref<8x4096xi32, #tpu.memory_space<vmem>>, %arg5: memref<1x4096xf32, #tpu.memory_space<vmem>>) attributes {dimension_semantics = [#tpu.dimension_semantics<arbitrary>], iteration_bounds = array<i64: 8>, scalar_prefetch = 0 : i64, scratch_operands = 0 : i64, tpu.core_type = #tpu.core_type<tc>, window_params = [{transform_indices = @transform_0, window_bounds = array<i64: 1, 4096, 768>}, {pipeline_mode = #tpu.pipeline_mode<synchronous>, transform_indices = @transform_1, window_bounds = array<i64: 64, 768>}, {pipeline_mode = #tpu.pipeline_mode<synchronous>, transform_indices = @transform_2, window_bounds = array<i64: 64, 1>}, {transform_indices = @transform_3, window_bounds = array<i64: 8, 4096>}, {transform_indices = @transform_4, window_bounds = array<i64: 1, 4096>}]} {
    %get3A = arith.constant 0 : index
    %get3A_0 = arith.constant 0 : index
    %get3A_1 = arith.constant 0 : index
    %get3A_2 = vector.load %arg1[%get3A, %get3A_0, %get3A_1] : memref<1x4096x768xf32, #tpu.memory_space<vmem>>, vector<1x4096x768xf32>
    %get3A_3 = vector.shape_cast %get3A_2 : vector<1x4096x768xf32> to vector<4096x768xf32>
    %get3A_4 = arith.constant 0 : index
    %get3A_5 = arith.constant 0 : index
    %get3A_6 = vector.load %arg2[%get3A_4, %get3A_5] : memref<64x768xf32, #tpu.memory_space<vmem>>, vector<64x768xf32>
    %dot_general3A = arith.constant dense<0.000000e+00> : vector<64x4096xf32>
    %dot_general3A_7 = tpu.matmul %get3A_6, %get3A_3, %dot_general3A {dimension_numbers = #tpu.dot_dimension_numbers<[1], [1], [0], [0], [0, 0, 1, 0], [], []>, transpose_lhs_hint = false} : vector<64x768xf32>, vector<4096x768xf32>, vector<64x4096xf32> -> vector<64x4096xf32>
    %get3A_8 = arith.constant 0 : index
    %get3A_9 = arith.constant 0 : index
    %get3A_10 = vector.load %arg3[%get3A_8, %get3A_9] : memref<64x1xf32, #tpu.memory_space<vmem>>, vector<64x1xf32>
    %add3A = vector.broadcast %get3A_10 : vector<64x1xf32> to vector<64x4096xf32>
    %add3A_11 = arith.addf %dot_general3A_7, %add3A : vector<64x4096xf32>
    %reduce_max3A = arith.constant dense<0xFF800000> : vector<4096xf32>
    %reduce_max3A_12 = vector.multi_reduction <maximumf>, %add3A_11, %reduce_max3A [0] : vector<64x4096xf32> to vector<4096xf32>
    %broadcast_in_dim3A = vector.shape_cast %reduce_max3A_12 : vector<4096xf32> to vector<1x4096xf32>
    %sub3A = vector.broadcast %broadcast_in_dim3A : vector<1x4096xf32> to vector<64x4096xf32>
    %sub3A_13 = arith.subf %add3A_11, %sub3A : vector<64x4096xf32>
    %exp3A = math.exp %sub3A_13 : vector<64x4096xf32>
    %reduce_sum3A = arith.constant dense<0.000000e+00> : vector<4096xf32>
    %reduce_sum3A_14 = vector.multi_reduction <add>, %exp3A, %reduce_sum3A [0] : vector<64x4096xf32> to vector<4096xf32>
    %broadcast_in_dim3A_15 = vector.shape_cast %reduce_sum3A_14 : vector<4096xf32> to vector<1x4096xf32>
    %bitcast_convert_type3A = tpu.bitcast %add3A_11 : vector<64x4096xf32> -> vector<64x4096xi32>
    %shift_right_arithmetic3A = arith.constant 31 : i32
    %shift_right_arithmetic3A_16 = vector.broadcast %shift_right_arithmetic3A : i32 to vector<64x4096xi32>
    %shift_right_arithmetic3A_17 = arith.shrsi %bitcast_convert_type3A, %shift_right_arithmetic3A_16 : vector<64x4096xi32>
    %and3A = arith.constant 2147483647 : i32
    %and3A_18 = vector.broadcast %and3A : i32 to vector<64x4096xi32>
    %and3A_19 = arith.andi %shift_right_arithmetic3A_17, %and3A_18 : vector<64x4096xi32>
    %xor3A = arith.xori %bitcast_convert_type3A, %and3A_19 : vector<64x4096xi32>
    %iota3A = tpu.iota {dimensions = array<i32: 0>} : vector<64x4096xi32>
    %slice3A = vector.extract_strided_slice %xor3A {offsets = [0, 0], sizes = [32, 4096], strides = [1, 1]} : vector<64x4096xi32> to vector<32x4096xi32>
    %slice3A_20 = vector.extract_strided_slice %xor3A {offsets = [32, 0], sizes = [32, 4096], strides = [1, 1]} : vector<64x4096xi32> to vector<32x4096xi32>
    %slice3A_21 = vector.extract_strided_slice %iota3A {offsets = [0, 0], sizes = [32, 4096], strides = [1, 1]} : vector<64x4096xi32> to vector<32x4096xi32>
    %slice3A_22 = vector.extract_strided_slice %iota3A {offsets = [32, 0], sizes = [32, 4096], strides = [1, 1]} : vector<64x4096xi32> to vector<32x4096xi32>
    %ge3A = arith.cmpi sge, %slice3A, %slice3A_20 : vector<32x4096xi32>
    %select_n3A = arith.select %ge3A, %slice3A, %slice3A_20 : vector<32x4096xi1>, vector<32x4096xi32>
    %select_n3A_23 = arith.select %ge3A, %slice3A_21, %slice3A_22 : vector<32x4096xi1>, vector<32x4096xi32>
    %select_n3A_24 = arith.select %ge3A, %slice3A_20, %slice3A : vector<32x4096xi1>, vector<32x4096xi32>
    %select_n3A_25 = arith.select %ge3A, %slice3A_22, %slice3A_21 : vector<32x4096xi1>, vector<32x4096xi32>
    %slice3A_26 = vector.extract_strided_slice %select_n3A {offsets = [0, 0], sizes = [16, 4096], strides = [1, 1]} : vector<32x4096xi32> to vector<16x4096xi32>
    %slice3A_27 = vector.extract_strided_slice %select_n3A {offsets = [16, 0], sizes = [16, 4096], strides = [1, 1]} : vector<32x4096xi32> to vector<16x4096xi32>
    %slice3A_28 = vector.extract_strided_slice %select_n3A_23 {offsets = [0, 0], sizes = [16, 4096], strides = [1, 1]} : vector<32x4096xi32> to vector<16x4096xi32>
    %slice3A_29 = vector.extract_strided_slice %select_n3A_23 {offsets = [16, 0], sizes = [16, 4096], strides = [1, 1]} : vector<32x4096xi32> to vector<16x4096xi32>
    %slice3A_30 = vector.extract_strided_slice %select_n3A_24 {offsets = [0, 0], sizes = [16, 4096], strides = [1, 1]} : vector<32x4096xi32> to vector<16x4096xi32>
    %slice3A_31 = vector.extract_strided_slice %select_n3A_24 {offsets = [16, 0], sizes = [16, 4096], strides = [1, 1]} : vector<32x4096xi32> to vector<16x4096xi32>
    %slice3A_32 = vector.extract_strided_slice %select_n3A_25 {offsets = [0, 0], sizes = [16, 4096], strides = [1, 1]} : vector<32x4096xi32> to vector<16x4096xi32>
    %slice3A_33 = vector.extract_strided_slice %select_n3A_25 {offsets = [16, 0], sizes = [16, 4096], strides = [1, 1]} : vector<32x4096xi32> to vector<16x4096xi32>
    %gt3A = arith.cmpi sgt, %slice3A_26, %slice3A_27 : vector<16x4096xi32>
    %eq3A = arith.cmpi eq, %slice3A_26, %slice3A_27 : vector<16x4096xi32>
    %lt3A = arith.cmpi slt, %slice3A_28, %slice3A_29 : vector<16x4096xi32>
    %and3A_34 = arith.andi %eq3A, %lt3A : vector<16x4096xi1>
    %or3A = arith.ori %gt3A, %and3A_34 : vector<16x4096xi1>
    %select_n3A_35 = arith.select %or3A, %slice3A_26, %slice3A_27 : vector<16x4096xi1>, vector<16x4096xi32>
    %select_n3A_36 = arith.select %or3A, %slice3A_28, %slice3A_29 : vector<16x4096xi1>, vector<16x4096xi32>
    %select_n3A_37 = arith.select %or3A, %slice3A_27, %slice3A_26 : vector<16x4096xi1>, vector<16x4096xi32>
    %select_n3A_38 = arith.select %or3A, %slice3A_29, %slice3A_28 : vector<16x4096xi1>, vector<16x4096xi32>
    %gt3A_39 = arith.cmpi sgt, %slice3A_30, %slice3A_31 : vector<16x4096xi32>
    %eq3A_40 = arith.cmpi eq, %slice3A_30, %slice3A_31 : vector<16x4096xi32>
    %lt3A_41 = arith.cmpi slt, %slice3A_32, %slice3A_33 : vector<16x4096xi32>
    %and3A_42 = arith.andi %eq3A_40, %lt3A_41 : vector<16x4096xi1>
    %or3A_43 = arith.ori %gt3A_39, %and3A_42 : vector<16x4096xi1>
    %select_n3A_44 = arith.select %or3A_43, %slice3A_30, %slice3A_31 : vector<16x4096xi1>, vector<16x4096xi32>
    %select_n3A_45 = arith.select %or3A_43, %slice3A_32, %slice3A_33 : vector<16x4096xi1>, vector<16x4096xi32>
    %gt3A_46 = arith.cmpi sgt, %select_n3A_37, %select_n3A_44 : vector<16x4096xi32>
    %eq3A_47 = arith.cmpi eq, %select_n3A_37, %select_n3A_44 : vector<16x4096xi32>
    %lt3A_48 = arith.cmpi slt, %select_n3A_38, %select_n3A_45 : vector<16x4096xi32>
    %and3A_49 = arith.andi %eq3A_47, %lt3A_48 : vector<16x4096xi1>
    %or3A_50 = arith.ori %gt3A_46, %and3A_49 : vector<16x4096xi1>
    %select_n3A_51 = arith.select %or3A_50, %select_n3A_37, %select_n3A_44 : vector<16x4096xi1>, vector<16x4096xi32>
    %select_n3A_52 = arith.select %or3A_50, %select_n3A_38, %select_n3A_45 : vector<16x4096xi1>, vector<16x4096xi32>
    %slice3A_53 = vector.extract_strided_slice %select_n3A_35 {offsets = [0, 0], sizes = [8, 4096], strides = [1, 1]} : vector<16x4096xi32> to vector<8x4096xi32>
    %slice3A_54 = vector.extract_strided_slice %select_n3A_35 {offsets = [8, 0], sizes = [8, 4096], strides = [1, 1]} : vector<16x4096xi32> to vector<8x4096xi32>
    %slice3A_55 = vector.extract_strided_slice %select_n3A_36 {offsets = [0, 0], sizes = [8, 4096], strides = [1, 1]} : vector<16x4096xi32> to vector<8x4096xi32>
    %slice3A_56 = vector.extract_strided_slice %select_n3A_36 {offsets = [8, 0], sizes = [8, 4096], strides = [1, 1]} : vector<16x4096xi32> to vector<8x4096xi32>
    %slice3A_57 = vector.extract_strided_slice %select_n3A_51 {offsets = [0, 0], sizes = [8, 4096], strides = [1, 1]} : vector<16x4096xi32> to vector<8x4096xi32>
    %slice3A_58 = vector.extract_strided_slice %select_n3A_51 {offsets = [8, 0], sizes = [8, 4096], strides = [1, 1]} : vector<16x4096xi32> to vector<8x4096xi32>
    %slice3A_59 = vector.extract_strided_slice %select_n3A_52 {offsets = [0, 0], sizes = [8, 4096], strides = [1, 1]} : vector<16x4096xi32> to vector<8x4096xi32>
    %slice3A_60 = vector.extract_strided_slice %select_n3A_52 {offsets = [8, 0], sizes = [8, 4096], strides = [1, 1]} : vector<16x4096xi32> to vector<8x4096xi32>
    %gt3A_61 = arith.cmpi sgt, %slice3A_53, %slice3A_54 : vector<8x4096xi32>
    %eq3A_62 = arith.cmpi eq, %slice3A_53, %slice3A_54 : vector<8x4096xi32>
    %lt3A_63 = arith.cmpi slt, %slice3A_55, %slice3A_56 : vector<8x4096xi32>
    %and3A_64 = arith.andi %eq3A_62, %lt3A_63 : vector<8x4096xi1>
    %or3A_65 = arith.ori %gt3A_61, %and3A_64 : vector<8x4096xi1>
    %select_n3A_66 = arith.select %or3A_65, %slice3A_53, %slice3A_54 : vector<8x4096xi1>, vector<8x4096xi32>
    %select_n3A_67 = arith.select %or3A_65, %slice3A_55, %slice3A_56 : vector<8x4096xi1>, vector<8x4096xi32>
    %select_n3A_68 = arith.select %or3A_65, %slice3A_54, %slice3A_53 : vector<8x4096xi1>, vector<8x4096xi32>
    %select_n3A_69 = arith.select %or3A_65, %slice3A_56, %slice3A_55 : vector<8x4096xi1>, vector<8x4096xi32>
    %gt3A_70 = arith.cmpi sgt, %slice3A_57, %slice3A_58 : vector<8x4096xi32>
    %eq3A_71 = arith.cmpi eq, %slice3A_57, %slice3A_58 : vector<8x4096xi32>
    %lt3A_72 = arith.cmpi slt, %slice3A_59, %slice3A_60 : vector<8x4096xi32>
    %and3A_73 = arith.andi %eq3A_71, %lt3A_72 : vector<8x4096xi1>
    %or3A_74 = arith.ori %gt3A_70, %and3A_73 : vector<8x4096xi1>
    %select_n3A_75 = arith.select %or3A_74, %slice3A_57, %slice3A_58 : vector<8x4096xi1>, vector<8x4096xi32>
    %select_n3A_76 = arith.select %or3A_74, %slice3A_59, %slice3A_60 : vector<8x4096xi1>, vector<8x4096xi32>
    %gt3A_77 = arith.cmpi sgt, %select_n3A_68, %select_n3A_75 : vector<8x4096xi32>
    %eq3A_78 = arith.cmpi eq, %select_n3A_68, %select_n3A_75 : vector<8x4096xi32>
    %lt3A_79 = arith.cmpi slt, %select_n3A_69, %select_n3A_76 : vector<8x4096xi32>
    %and3A_80 = arith.andi %eq3A_78, %lt3A_79 : vector<8x4096xi1>
    %or3A_81 = arith.ori %gt3A_77, %and3A_80 : vector<8x4096xi1>
    %select_n3A_82 = arith.select %or3A_81, %select_n3A_68, %select_n3A_75 : vector<8x4096xi1>, vector<8x4096xi32>
    %select_n3A_83 = arith.select %or3A_81, %select_n3A_69, %select_n3A_76 : vector<8x4096xi1>, vector<8x4096xi32>
    %slice3A_84 = vector.extract_strided_slice %select_n3A_66 {offsets = [0, 0], sizes = [4, 4096], strides = [1, 1]} : vector<8x4096xi32> to vector<4x4096xi32>
    %slice3A_85 = vector.extract_strided_slice %select_n3A_66 {offsets = [4, 0], sizes = [4, 4096], strides = [1, 1]} : vector<8x4096xi32> to vector<4x4096xi32>
    %slice3A_86 = vector.extract_strided_slice %select_n3A_67 {offsets = [0, 0], sizes = [4, 4096], strides = [1, 1]} : vector<8x4096xi32> to vector<4x4096xi32>
    %slice3A_87 = vector.extract_strided_slice %select_n3A_67 {offsets = [4, 0], sizes = [4, 4096], strides = [1, 1]} : vector<8x4096xi32> to vector<4x4096xi32>
    %slice3A_88 = vector.extract_strided_slice %select_n3A_82 {offsets = [0, 0], sizes = [4, 4096], strides = [1, 1]} : vector<8x4096xi32> to vector<4x4096xi32>
    %slice3A_89 = vector.extract_strided_slice %select_n3A_82 {offsets = [4, 0], sizes = [4, 4096], strides = [1, 1]} : vector<8x4096xi32> to vector<4x4096xi32>
    %slice3A_90 = vector.extract_strided_slice %select_n3A_83 {offsets = [0, 0], sizes = [4, 4096], strides = [1, 1]} : vector<8x4096xi32> to vector<4x4096xi32>
    %slice3A_91 = vector.extract_strided_slice %select_n3A_83 {offsets = [4, 0], sizes = [4, 4096], strides = [1, 1]} : vector<8x4096xi32> to vector<4x4096xi32>
    %gt3A_92 = arith.cmpi sgt, %slice3A_84, %slice3A_85 : vector<4x4096xi32>
    %eq3A_93 = arith.cmpi eq, %slice3A_84, %slice3A_85 : vector<4x4096xi32>
    %lt3A_94 = arith.cmpi slt, %slice3A_86, %slice3A_87 : vector<4x4096xi32>
    %and3A_95 = arith.andi %eq3A_93, %lt3A_94 : vector<4x4096xi1>
    %or3A_96 = arith.ori %gt3A_92, %and3A_95 : vector<4x4096xi1>
    %select_n3A_97 = arith.select %or3A_96, %slice3A_84, %slice3A_85 : vector<4x4096xi1>, vector<4x4096xi32>
    %select_n3A_98 = arith.select %or3A_96, %slice3A_86, %slice3A_87 : vector<4x4096xi1>, vector<4x4096xi32>
    %select_n3A_99 = arith.select %or3A_96, %slice3A_85, %slice3A_84 : vector<4x4096xi1>, vector<4x4096xi32>
    %select_n3A_100 = arith.select %or3A_96, %slice3A_87, %slice3A_86 : vector<4x4096xi1>, vector<4x4096xi32>
    %gt3A_101 = arith.cmpi sgt, %slice3A_88, %slice3A_89 : vector<4x4096xi32>
    %eq3A_102 = arith.cmpi eq, %slice3A_88, %slice3A_89 : vector<4x4096xi32>
    %lt3A_103 = arith.cmpi slt, %slice3A_90, %slice3A_91 : vector<4x4096xi32>
    %and3A_104 = arith.andi %eq3A_102, %lt3A_103 : vector<4x4096xi1>
    %or3A_105 = arith.ori %gt3A_101, %and3A_104 : vector<4x4096xi1>
    %select_n3A_106 = arith.select %or3A_105, %slice3A_88, %slice3A_89 : vector<4x4096xi1>, vector<4x4096xi32>
    %select_n3A_107 = arith.select %or3A_105, %slice3A_90, %slice3A_91 : vector<4x4096xi1>, vector<4x4096xi32>
    %gt3A_108 = arith.cmpi sgt, %select_n3A_99, %select_n3A_106 : vector<4x4096xi32>
    %eq3A_109 = arith.cmpi eq, %select_n3A_99, %select_n3A_106 : vector<4x4096xi32>
    %lt3A_110 = arith.cmpi slt, %select_n3A_100, %select_n3A_107 : vector<4x4096xi32>
    %and3A_111 = arith.andi %eq3A_109, %lt3A_110 : vector<4x4096xi1>
    %or3A_112 = arith.ori %gt3A_108, %and3A_111 : vector<4x4096xi1>
    %select_n3A_113 = arith.select %or3A_112, %select_n3A_99, %select_n3A_106 : vector<4x4096xi1>, vector<4x4096xi32>
    %select_n3A_114 = arith.select %or3A_112, %select_n3A_100, %select_n3A_107 : vector<4x4096xi1>, vector<4x4096xi32>
    %slice3A_115 = vector.extract_strided_slice %select_n3A_97 {offsets = [0, 0], sizes = [2, 4096], strides = [1, 1]} : vector<4x4096xi32> to vector<2x4096xi32>
    %slice3A_116 = vector.extract_strided_slice %select_n3A_97 {offsets = [2, 0], sizes = [2, 4096], strides = [1, 1]} : vector<4x4096xi32> to vector<2x4096xi32>
    %slice3A_117 = vector.extract_strided_slice %select_n3A_98 {offsets = [0, 0], sizes = [2, 4096], strides = [1, 1]} : vector<4x4096xi32> to vector<2x4096xi32>
    %slice3A_118 = vector.extract_strided_slice %select_n3A_98 {offsets = [2, 0], sizes = [2, 4096], strides = [1, 1]} : vector<4x4096xi32> to vector<2x4096xi32>
    %slice3A_119 = vector.extract_strided_slice %select_n3A_113 {offsets = [0, 0], sizes = [2, 4096], strides = [1, 1]} : vector<4x4096xi32> to vector<2x4096xi32>
    %slice3A_120 = vector.extract_strided_slice %select_n3A_113 {offsets = [2, 0], sizes = [2, 4096], strides = [1, 1]} : vector<4x4096xi32> to vector<2x4096xi32>
    %slice3A_121 = vector.extract_strided_slice %select_n3A_114 {offsets = [0, 0], sizes = [2, 4096], strides = [1, 1]} : vector<4x4096xi32> to vector<2x4096xi32>
    %slice3A_122 = vector.extract_strided_slice %select_n3A_114 {offsets = [2, 0], sizes = [2, 4096], strides = [1, 1]} : vector<4x4096xi32> to vector<2x4096xi32>
    %gt3A_123 = arith.cmpi sgt, %slice3A_115, %slice3A_116 : vector<2x4096xi32>
    %eq3A_124 = arith.cmpi eq, %slice3A_115, %slice3A_116 : vector<2x4096xi32>
    %lt3A_125 = arith.cmpi slt, %slice3A_117, %slice3A_118 : vector<2x4096xi32>
    %and3A_126 = arith.andi %eq3A_124, %lt3A_125 : vector<2x4096xi1>
    %or3A_127 = arith.ori %gt3A_123, %and3A_126 : vector<2x4096xi1>
    %select_n3A_128 = arith.select %or3A_127, %slice3A_115, %slice3A_116 : vector<2x4096xi1>, vector<2x4096xi32>
    %select_n3A_129 = arith.select %or3A_127, %slice3A_117, %slice3A_118 : vector<2x4096xi1>, vector<2x4096xi32>
    %select_n3A_130 = arith.select %or3A_127, %slice3A_116, %slice3A_115 : vector<2x4096xi1>, vector<2x4096xi32>
    %select_n3A_131 = arith.select %or3A_127, %slice3A_118, %slice3A_117 : vector<2x4096xi1>, vector<2x4096xi32>
    %gt3A_132 = arith.cmpi sgt, %slice3A_119, %slice3A_120 : vector<2x4096xi32>
    %eq3A_133 = arith.cmpi eq, %slice3A_119, %slice3A_120 : vector<2x4096xi32>
    %lt3A_134 = arith.cmpi slt, %slice3A_121, %slice3A_122 : vector<2x4096xi32>
    %and3A_135 = arith.andi %eq3A_133, %lt3A_134 : vector<2x4096xi1>
    %or3A_136 = arith.ori %gt3A_132, %and3A_135 : vector<2x4096xi1>
    %select_n3A_137 = arith.select %or3A_136, %slice3A_119, %slice3A_120 : vector<2x4096xi1>, vector<2x4096xi32>
    %select_n3A_138 = arith.select %or3A_136, %slice3A_121, %slice3A_122 : vector<2x4096xi1>, vector<2x4096xi32>
    %gt3A_139 = arith.cmpi sgt, %select_n3A_130, %select_n3A_137 : vector<2x4096xi32>
    %eq3A_140 = arith.cmpi eq, %select_n3A_130, %select_n3A_137 : vector<2x4096xi32>
    %lt3A_141 = arith.cmpi slt, %select_n3A_131, %select_n3A_138 : vector<2x4096xi32>
    %and3A_142 = arith.andi %eq3A_140, %lt3A_141 : vector<2x4096xi1>
    %or3A_143 = arith.ori %gt3A_139, %and3A_142 : vector<2x4096xi1>
    %select_n3A_144 = arith.select %or3A_143, %select_n3A_130, %select_n3A_137 : vector<2x4096xi1>, vector<2x4096xi32>
    %select_n3A_145 = arith.select %or3A_143, %select_n3A_131, %select_n3A_138 : vector<2x4096xi1>, vector<2x4096xi32>
    %concatenate3A = tpu.concatenate %select_n3A_128, %select_n3A_144, %select_n3A_129, %select_n3A_145 in 0 : vector<2x4096xi32>, vector<2x4096xi32>, vector<2x4096xi32>, vector<2x4096xi32> -> vector<8x4096xi32>
    %swap3A = arith.constant 0 : index
    %swap3A_146 = arith.constant 0 : index
    %swap3A_147 = vector.load %arg4[%swap3A, %swap3A_146] : memref<8x4096xi32, #tpu.memory_space<vmem>>, vector<8x4096xi32>
    tpu.vector_store %arg4[%swap3A, %swap3A_146], %concatenate3A {strides = array<i32>} : memref<8x4096xi32, #tpu.memory_space<vmem>>, vector<8x4096xi32>,
    %swap3A_148 = arith.constant 0 : index
    %swap3A_149 = arith.constant 0 : index
    %swap3A_150 = vector.load %arg5[%swap3A_148, %swap3A_149] : memref<1x4096xf32, #tpu.memory_space<vmem>>, vector<1x4096xf32>
    tpu.vector_store %arg5[%swap3A_148, %swap3A_149], %broadcast_in_dim3A_15 {strides = array<i32>} : memref<1x4096xf32, #tpu.memory_space<vmem>>, vector<1x4096xf32>,
    return
  }
  func.func @transform_0(%arg0: i32) -> (i32, i32, i32) {
    %add3A = arith.constant 0 : i32
    %add3A_0 = arith.addi %arg0, %add3A : i32
    %jit3A = arith.constant 2 : i32
    %div3A = arith.divsi %add3A_0, %jit3A : i32
    %sign3A = arith.constant 0 : i32
    %sign3A_1 = arith.cmpi sgt, %add3A_0, %sign3A : i32
    %sign3A_2 = arith.extui %sign3A_1 : i1 to i32
    %sign3A_3 = arith.constant 0 : i32
    %sign3A_4 = arith.cmpi slt, %add3A_0, %sign3A_3 : i32
    %sign3A_5 = arith.extui %sign3A_4 : i1 to i32
    %sign3A_6 = arith.subi %sign3A_2, %sign3A_5 : i32
    %sign3A_7 = arith.constant 0 : i32
    %sign3A_8 = arith.cmpi sgt, %jit3A, %sign3A_7 : i32
    %sign3A_9 = arith.extui %sign3A_8 : i1 to i32
    %sign3A_10 = arith.constant 0 : i32
    %sign3A_11 = arith.cmpi slt, %jit3A, %sign3A_10 : i32
    %sign3A_12 = arith.extui %sign3A_11 : i1 to i32
    %sign3A_13 = arith.subi %sign3A_9, %sign3A_12 : i32
    %ne3A = arith.cmpi ne, %sign3A_6, %sign3A_13 : i32
    %rem3A = arith.remsi %add3A_0, %jit3A : i32
    %ne3A_14 = arith.constant 0 : i32
    %ne3A_15 = arith.cmpi ne, %rem3A, %ne3A_14 : i32
    %and3A = arith.andi %ne3A, %ne3A_15 : i1
    %sub3A = arith.constant 1 : i32
    %sub3A_16 = arith.subi %div3A, %sub3A : i32
    %select_n3A = arith.select %and3A, %sub3A_16, %div3A : i32
    %add3A_17 = arith.constant 0 : i32
    %add3A_18 = arith.addi %arg0, %add3A_17 : i32
    %jit3A_19 = arith.constant 2 : i32
    %eq3A = arith.constant 0 : i32
    %eq3A_20 = arith.cmpi eq, %jit3A_19, %eq3A : i32
    %jit3A_21 = arith.constant 1 : i32
    %select_n3A_22 = arith.select %eq3A_20, %jit3A_21, %jit3A_19 : i32
    %rem3A_23 = arith.remsi %add3A_18, %select_n3A_22 : i32
    %ne3A_24 = arith.constant 0 : i32
    %ne3A_25 = arith.cmpi ne, %rem3A_23, %ne3A_24 : i32
    %lt3A = arith.constant 0 : i32
    %lt3A_26 = arith.cmpi slt, %rem3A_23, %lt3A : i32
    %lt3A_27 = arith.constant 0 : i32
    %lt3A_28 = arith.cmpi slt, %select_n3A_22, %lt3A_27 : i32
    %ne3A_29 = arith.xori %lt3A_26, %lt3A_28 : i1
    %and3A_30 = arith.andi %ne3A_29, %ne3A_25 : i1
    %add3A_31 = arith.addi %rem3A_23, %select_n3A_22 : i32
    %select_n3A_32 = arith.select %and3A_30, %add3A_31, %rem3A_23 : i32
    %c0_i32 = arith.constant 0 : i32
    %c0_i32_33 = arith.constant 0 : i32
    return %select_n3A, %select_n3A_32, %c0_i32 : i32, i32, i32
  }
  func.func @transform_1(%arg0: i32) -> (i32, i32) {
    %c0_i32 = arith.constant 0 : i32
    %c0_i32_0 = arith.constant 0 : i32
    %c0_i32_1 = arith.constant 0 : i32
    return %c0_i32, %c0_i32_0 : i32, i32
  }
  func.func @transform_2(%arg0: i32) -> (i32, i32) {
    %c0_i32 = arith.constant 0 : i32
    %c0_i32_0 = arith.constant 0 : i32
    %c0_i32_1 = arith.constant 0 : i32
    return %c0_i32, %c0_i32_0 : i32, i32
  }
  func.func @transform_3(%arg0: i32) -> (i32, i32) {
    %c0_i32 = arith.constant 0 : i32
    %c0_i32_0 = arith.constant 0 : i32
    return %c0_i32, %arg0 : i32, i32
  }
  func.func @transform_4(%arg0: i32) -> (i32, i32) {
    %c0_i32 = arith.constant 0 : i32
    %c0_i32_0 = arith.constant 0 : i32
    return %c0_i32, %arg0 : i32, i32
  }
}

</mosaic_0001>

<sc_bundles>
// kernel: kernel.4.cloned.1.call-start
scs
__scs_entry_jumppad:
0x0: {  	(pc) =	sbr.rel $0x88, $3  }
0x1: {  	(tag) =	ssettag $0x0;
	lr =	simm.s32 $0x1  }
0x2: {  	[smem:$0x3F9E] =	sst lr;
	_ =	strace $0xD0000000  }
0x3: {  	_ = 	snop  }
0x4: {  	_ = 	snop  }
0x5: {  	_ = 	snop  }
0x6: {  	_ = 	snop  }
0x7: {  	_ = 	snop  }
__scs_overlays_trampoline_lowered:
0x8: {  	[smem:$0x3FAD] =	sst s0  }
0x9: {  	[smem:$0x3FAE] =	sst s1  }
0xa: {  	[smem:$0x3FAF] =	sst s2  }
0xb: {  	[smem:$0x3FB0] =	sst s3  }
0xc: {  	[smem:$0x3FB1] =	sst s4  }
0xd: {  	[smem:$0x3FB2] =	sst s5  }
0xe: {  	[smem:$0x3FB3] =	sst s6  }
0xf: {  	[smem:$0x3FB4] =	sst s7  }
0x10: {  	[smem:$0x3FB5] =	sst s8  }
0x11: {  	[smem:$0x3FB6] =	sst s9;
	s0 =	simm.s32 @!p0 $0x0  }
0x12: {  	s1 =	sld [smem:$0x3F9C];
	s0 =	simm.s32 @p0 $0x1  }
0x13: {  	[smem:$0x3FB7] =	sst s0;
	s0 =	simm.s32 @!p1 $0x0  }
0x14: {  	s2 =	sld [smem:$0x3F9B];
	s0 =	simm.s32 @p1 $0x1  }
0x15: {  	[smem:$0x3FB8] =	sst s0;
	s0 =	simm.s32 @!p2 $0x0  }
0x16: {  	s3 =	sld [smem:$0x3FDB];
	s0 =	simm.s32 @p2 $0x1  }
0x17: {  	s4 =	simm.s32 $0x1BF5;
	[smem:$0x3FBA] =	sst s0  }
0x18: {  	s0 =	sld [smem:$0x3F9D];
	_ =	swait.ge [sflag:s4], $0x0  }
0x19: {  	s7 =	sld [smem:$0x3F9E]  }
0x1a: {  	s8 =	sadd.s32 $0xFFFFE003, lr  }
0x1b: {  	s9 =	sadd.s32 $0xFFFFFEF7, lr;
	s5 =	simm.s32 $0xFFFFFFFF;
	p2 =	slt.u32 s8, $0xFFFFF086  }
0x1c: {  	p1 =	slt.u32 s9, $0xF7A;
	s5 =	simm.s32 @!p2 $0x0  }
0x1d: {  	s5 =	simm.s32 @p1 $0x1;
	p0 =	seq.s32 s7, s2  }
0x1e: {  	s7 =	smul.u32 @!p0 $0xF7A, s2;
	p2 =	seq.s32 @!p0 s5, $0x0  }
0x1f: {  	s9 =	smul.u32 $0xF7A, s1;
	s8 =	simm.s32 @!p0 $0x1BF5;
	p2 =	por !p2, p0  }
0x20: {  	[sflag:s8] =	ssyncset.s32 @!p0 $0xFFFFF086;
	s6 =	sadd.s32 @!p0 s3, s7;
	s7 =	simm.s32 @!p0 $0x108  }
0x21: {  	s3 =	sadd.s32 s3, s9;
	s6 =	sadd.s32 @!p0 $0x88, s6;
	s7 =	simm.s32 @p2 $0x1082  }
0x22: {  	[simem:s7], [sflag:s8] =	dma.local @!p0 [hbm:s6], $0xF7A  }
0x23: {  	s9 =	sor.u32 $0xD0000000, s2;
	s6 =	simm.s32 $0x108;
	_ =	swait.ge @!p0 [sflag:s8], $0x0  }
0x24: {  	s3 =	sadd.s32 $0x88, s3;
	s6 =	simm.s32 @!p1 $0x1082;
	[sflag:s4] =	ssyncset.s32 $0xFFFFF086  }
0x25: {  	[simem:s6], [sflag:s4] =	dma.local [hbm:s3], $0xF7A  }
0x26: {  	[smem:$0x3F9E] =	sst s1;
	(tag) =	ssettag s2;
	_ =	strace s9  }
0x27: {  	s1 =	sld [smem:$0x3FAE]  }
0x28: {  	s2 =	sld [smem:$0x3FAF]  }
0x29: {  	s4 =	sld [smem:$0x3FB1]  }
0x2a: {  	p0 =	seq.s32 s5, $0x0;
	s5 =	sld [smem:$0x3FB2]  }
0x2b: {  	s6 =	sld [smem:$0x3FB3]  }
0x2c: {  	s7 =	sld [smem:$0x3FB4]  }
0x2d: {  	s3 =	simm.s32 $0x108;
	s8 =	sld [smem:$0x3FB5]  }
0x2e: {  	s3 =	simm.s32 @!p0 $0x1082;
	s9 =	sld [smem:$0x3FB6]  }
0x2f: {  	lr =	sadd.s32 s0, s3;
	s0 =	sld [smem:$0x3FAD]  }
0x30: {  	s3 =	sld [smem:$0x3FB0]  }
0x31: {  	[smem:$0x3FB9] =	sst s10  }
0x32: {  	s10 =	sld [smem:$0x3FB7];
	_ =	sdelay $0x3  }
0x33: {  	p0 =	seq.s32 s10, $0x1;
	s10 =	sld [smem:$0x3FB9];
	_ =	sdelay $0x3  }
0x34: {  	[smem:$0x3FB9] =	sst s10  }
0x35: {  	s10 =	sld [smem:$0x3FB8];
	_ =	sdelay $0x3  }
0x36: {  	p1 =	seq.s32 s10, $0x1;
	s10 =	sld [smem:$0x3FB9];
	_ =	sdelay $0x3  }
0x37: {  	[smem:$0x3FB9] =	sst s10  }
0x38: {  	s10 =	sld [smem:$0x3FBA]  }
0x39: {  	_ = 	snop;
	(pc) =	sbr.ind lr, $3  }
0x3a: {  	_ = 	snop  }
0x3b: {  	_ = 	snop  }
0x3c: {  	p2 =	seq.s32 s10, $0x1;
	s10 =	sld [smem:$0x3FB9]  }
0x3d: {  	_ =	shalt  }
0x3e: {  	_ =	shalt  }
0x3f: {  	_ =	shalt  }
0x40: {  	_ =	shalt  }
0x41: {  	_ =	shalt  }
0x42: {  	_ =	shalt  }
0x43: {  	_ =	shalt  }
0x44: {  	_ =	shalt  }
0x45: {  	_ =	shalt  }
0x46: {  	_ =	shalt  }
0x47: {  	_ =	shalt  }
0x48: {  	_ =	shalt  }
0x49: {  	_ =	shalt  }
0x4a: {  	_ =	shalt  }
0x4b: {  	_ =	shalt  }
0x4c: {  	_ =	shalt  }
0x4d: {  	_ =	shalt  }
0x4e: {  	_ =	shalt  }
0x4f: {  	_ =	shalt  }
0x50: {  	_ =	shalt  }
0x51: {  	_ =	shalt  }
0x52: {  	_ =	shalt  }
0x53: {  	_ =	shalt  }
0x54: {  	_ =	shalt  }
0x55: {  	_ =	shalt  }
0x56: {  	_ =	shalt  }
0x57: {  	_ =	shalt  }
0x58: {  	_ =	shalt  }
0x59: {  	_ =	shalt  }
0x5a: {  	_ =	shalt  }
0x5b: {  	_ =	shalt  }
0x5c: {  	_ =	shalt  }
0x5d: {  	_ =	shalt  }
0x5e: {  	_ =	shalt  }
0x5f: {  	_ =	shalt  }
0x60: {  	_ =	shalt  }
0x61: {  	_ =	shalt  }
0x62: {  	_ =	shalt  }
0x63: {  	_ =	shalt  }
0x64: {  	_ =	shalt  }
0x65: {  	_ =	shalt  }
0x66: {  	_ =	shalt  }
0x67: {  	_ =	shalt  }
0x68: {  	_ =	shalt  }
0x69: {  	_ =	shalt  }
0x6a: {  	_ =	shalt  }
0x6b: {  	_ =	shalt  }
0x6c: {  	_ =	shalt  }
0x6d: {  	_ =	shalt  }
0x6e: {  	_ =	shalt  }
0x6f: {  	_ =	shalt  }
0x70: {  	_ =	shalt  }
0x71: {  	_ =	shalt  }
0x72: {  	_ =	shalt  }
0x73: {  	_ =	shalt  }
0x74: {  	_ =	shalt  }
0x75: {  	_ =	shalt  }
0x76: {  	_ =	shalt  }
0x77: {  	_ =	shalt  }
0x78: {  	_ =	shalt  }
0x79: {  	_ =	shalt  }
0x7a: {  	_ =	shalt  }
0x7b: {  	_ =	shalt  }
0x7c: {  	_ =	shalt  }
0x7d: {  	_ =	shalt  }
0x7e: {  	_ =	shalt  }
0x7f: {  	_ =	shalt  }
0x80: {  	_ =	shalt  }
0x81: {  	_ =	shalt  }
0x82: {  	_ =	shalt  }
0x83: {  	_ =	shalt  }
0x84: {  	_ =	shalt  }
0x85: {  	_ =	shalt  }
0x86: {  	_ =	shalt  }
0x87: {  	_ =	shalt  }
.Lfunc_end0:
.L_simem_size_0:
called_computation_lowered:
.L_overlay_start_0:
0x88: {  	s2 =	sld [smem:$0x3FD9]  }
0x89: {  	s3 =	sld [smem:$0x3FFE];
	_ =	sdelay $0x1  }
0x8a: {  	s1 =	srdreg.scid  }
0x8b: {  	s0 =	sand.u32 $0x1, s1  }
0x8c: {  	s14 =	sshll.u32 s0, $0xA;
	s2 =	sadd.s32 s3, s2  }
0x8d: {  	s2 =	sadd.s32 s2, s14  }
0x8e: {  	[smem:$0x3FC5] =	sst s2  }
0x8f: {  	_ = 	snop  }
0x90: {  	s2 =	sld [smem:$0x3FD0];
	_ =	sdelay $0x2  }
0x91: {  	s15 =	simm.s32 $0xA;
	s4 =	simm.s32 $0x10  }
0x92: {  	[smem:s4], [sflag:s15] =	dma.local [hbm:s2], $0x1  }
0x93: {  	_ =	swait.eq [sflag:s15], $0x1  }
0x94: {  	[sflag:s15] =	ssyncset.done $0x0  }
0x95: {  	s16 =	sld [smem:$0x10];
	[sflag:s15] =	ssyncadd.s32 $0xFFFFFFFF  }
0x96: {  	s17 =	sld [smem:$0x11];
	(tm) =	ssettm $0x1  }
0x97: {  	s18 =	sld [smem:$0x3FFB];
	_ =	sdelay $0x3  }
0x98: {  	_ =	strace s18  }
0x99: {  	s4 =	sld [smem:$0x3FFC];
	_ =	sdelay $0x3  }
0x9a: {  	_ =	strace s4  }
0x9b: {  	s4 =	sld [smem:$0x3FFD];
	_ =	sdelay $0x3  }
0x9c: {  	_ =	strace s4  }
0x9d: {  	_ =	strace $0x8FFFFFFF  }
0x9e: {  	s19 =	sld [smem:$0x3FDB];
	_ =	sdelay $0x1  }
0x9f: {  	s5 =	simm.s32 $_scs_section_size  }
0xa0: {  	s6 =	simm.s32 $_size__tile_overlayer_lowered;
	s7 =	simm.s32 $_tile_overlayer_lowered  }
0xa1: {  	s22 =	simm.s32 $0x1BFF;
	s21 =	sshll.u32 s7, $0x1;
	s4 =	sadd.s32 s5, s19  }
0xa2: {  	s8 =	simm.s32 $0x0;
	s20 =	sshll.u32 s6, $0x1;
	s6 =	sadd.s32 s21, s4  }
0xa3: {  	[timem:s8], [sflag:s22] =	dma.local [hbm:s6], s20  }
0xa4: {  	_ =	swait.ge [sflag:s22], s20  }
0xa5: {  	s5 =	ssub.s32 $0x0, s20;
	[sflag:s22] =	ssyncset.done $0x0  }
0xa6: {  	[sflag:s22] =	ssyncadd.s32 s5;
	_ =	sdelay $0x1  }
0xa7: {  	s23 =	simm.s32 $0x1B8B  }
0xa8: {  	_ =	swait.ge [sflag:s23], $0x1  }
0xa9: {  	[sflag:s23] =	ssyncset.done $0x0  }
0xaa: {  	s25 =	simm.s32 $0x1B8E;
	s24 =	sld [smem:$0x3FFE];
	[sflag:s23] =	ssyncadd.s32 $0xFFFFFFFF  }
0xab: {  	s26 =	simm.s32 $execute0_lowered;
	[smem:$0x3FD2] =	sst s25  }
0xac: {  	s6 =	sshll.u32 s26, $0x1;
	_ =	strace $0x80000046;
	[dreg:$0x1] =	wrdreg $0xFFFFFFFF  }
0xad: {  	s28 =	simm.s32 $_size_execute0_lowered;
	s4 =	sadd.s32 s4, s6;
	[dreg:$0x0] =	wrdreg $0x0  }
0xae: {  	s6 =	sshll.u32 s28, $0x1;
	[dreg:$0x2] =	wrdreg s4  }
0xaf: {  	[dreg:$0x3] =	wrdreg s6  }
0xb0: {  	[dreg:$0x4] =	wrdreg $0xC0  }
0xb1: {  	_ =	task [dreg:s8], $0x5FFFF  }
0xb2: {  	[dreg:$0x1] =	wrdreg $0xFFFFFFFF  }
0xb3: {  	[dreg:$0x0] =	wrdreg $0x60  }
0xb4: {  	[dreg:$0x2] =	wrdreg s24  }
0xb5: {  	[dreg:$0x3] =	wrdreg s16  }
0xb6: {  	[dreg:$0x4] =	wrdreg s17  }
0xb7: {  	[dreg:$0x5] =	wrdreg $0x9  }
0xb8: {  	_ =	task.clear_ibuf [dreg:s8], $0x6FFFF;
	_ =	strace $0x90000046  }
0xb9: {  	s29 =	simm.s32 $0x9;
	_ =	strace $0x80000048  }
0xba: {  	_ =	swait.ge [sflag:s29], $0x1  }
0xbb: {  	[sflag:s29] =	ssyncadd.s32 $0xFFFFFFFF  }
0xbc: {  	_ =	strace $0x90000048  }
0xbd: {  	_ =	sfence  }
0xbe: {  	s30 =	sld [smem:$0x0];
	_ =	sdelay $0x2  }
0xbf: {  	s31 =	sshll.u32 s1, $0xD;
	s1 =	sshrl.u32 s1, $0x2  }
0xc0: {  	s3 =	sand.u32 $0x4000, s31;
	s1 =	sadd.s32 s1, s30  }
0xc1: {  	s0 =	sor.u32 s3, s0;
	s1 =	sshll.u32 s1, $0x11  }
0xc2: {  	s0 =	sor.u32 s1, s0  }
0xc3: {  	s0 =	sadd.s32 $0x8F2B, s0  }
0xc4: {  	[sflag:s0] =	ssyncadd.remote.s32 $0x1  }
0xc5: {  	_ =	sfence.sel $0xFFFF  }
0xc6: {  	[dreg:$0x0] =	wrdreg $0xFFFFFFFF;
	(pc) =	sbr.abs _section_cstart, $3  }
0xc7: {  	[dreg:$0x1] =	wrdreg $0xFFFFFFFF  }
0xc8: {  	_ =	task.clear_ibuf [dreg:s8], $0x2FFFF;
	_ =	strace $0x9FFFFFFF  }
0xc9: {  	(tm) =	ssettm $0x7FFFFFFF  }
tec
execute0_lowered:
.L_overlay_start_1:
0x0: {  	(tag) =	ssettag $0x1  }
0x1: {  	s3 =	rddreg [dreg:$0x0]  }
0x2: {  	s5 =	rddreg [dreg:$0x1]  }
0x3: {  	s6 =	rddreg [dreg:$0x2]  }
0x4: {  	s0 =	rddreg [dreg:$0x3];
	s4 =	srdreg.scid  }
0x5: {  	s2 =	simm.s32 $0x0;
	s1 =	stileid.u32;
	s4 =	sand.u32 $0x1, s4  }
0x6: {  	s11 =	simm.s32 $0x0;
	s7 =	sshll.u32 s1, $0xB;
	s8 =	sshll.u32 s4, $0xA  }
0x7: {  	[smem:$0x7FF] =	sst s2;
	s4 =	ssub.s32 $0x2, s4;
	s7 =	sor.u32 s8, s7  }
0x8: {  	_ =	strace $0x80000047;
	s10 =	sshrl.u32 s4, $0x1;
	s8 =	sadd.s32 s7, s3  }
0x9: {  	s9 =	sshrl.u32 s7, $0x3;
	s10 =	ssub.s32 s4, s10;
	s7 =	sshrl.u32 s7, $0x2  }
0xa: {  	s9 =	sadd.s32 s9, s3;
	s3 =	sadd.s32 $0x1000, s8;
	s5 =	sadd.s32 s5, s7  }
0xb: {  	s6 =	sadd.s32 s6, s7;
	s7 =	smax.u32 s10, $0x1;
	s8 =	simm.s32 $0x1  }
0xc: {  	s10 =	simm.s32 $0x2C00;
	s4 =	sadd.s32 $0x9000, s9;
	s9 =	simm.s32 $0x2400  }
.LBB2_1:
0xd: {  	[tilespmem:s2], [sflag:$0x1] =	stream.linear.gather [hbm4b:s3+s2], $0x2000, $0x38;
	[tilespmem:$0x3400] =	vst v63  }
0xe: {  	_ =	swait.ge [sflag:s8], $0x2000  }
0xf: {  	[sflag:s8] =	ssyncset.done $0x0  }
0x10: {  	s13 =	simm.s32 $0x2000;
	[sflag:s8] =	ssyncadd.s32 $0xFFFFE000  }
0x11: {  	[tilespmem:s13], [sflag:$0x1] =	stream.linear.gather [hbm4b:s4+s2], $0x400, $0x38;
	[tilespmem:$0x3400] =	vst v63  }
0x12: {  	s14 =	simm.s32 $0x0;
	_ =	swait.ge [sflag:s8], $0x400  }
0x13: {  	s12 =	sand.u32 $0x70, s2;
	s14 =	sand.u32 $0x3FFFFC00, s14;
	[sflag:s8] =	ssyncset.done $0x0  }
0x14: {  	s14 =	sor.u32 s12, s14;
	[sflag:s8] =	ssyncadd.s32 $0xFFFFFC00  }
0x15: {  	v0 =	vld [tilespmem:s14+$0x200]  }
0x16: {  	v1 =	vld [tilespmem:s14+$0x0]  }
0x17: {  	v2 =	vld [tilespmem:s14+$0x280]  }
0x18: {  	v3 =	vld [tilespmem:s14+$0x80];
	_ =	sdelay $0x1  }
0x19: {  	v4 =	vshra.s32 v0, $0x1F  }
0x1a: {  	v5 =	vld [tilespmem:s14+$0x300];
	vm0 =	veq.s32 v1, $0x80000000;
	v4 =	vand.u32 v4, v0  }
0x1b: {  	v6 =	vld [tilespmem:s14+$0x100];
	v60 =	vshra.s32 v2, $0x1F;
	v0 =	vsel vm0, v4, v0  }
0x1c: {  	vm13 =	vgt.s32 v3, v1;
	vm1 =	veq.s32 v3, v1;
	vm2 =	vlt.s32 v2, v0  }
0x1d: {  	vm14 =	veq.s32 v3, $0x80000000;
	v4 =	vand.u32 v60, v2;
	vm1 =	vmand vm1, vm2  }
0x1e: {  	v4 =	vsel vm14, v4, v2;
	vm0 =	vmor vm13, vm1  }
0x1f: {  	v7 =	vsel vm0, v1, v3;
	v4 =	vsel vm0, v0, v4;
	v1 =	vsel vm0, v3, v1  }
0x20: {  	v0 =	vsel vm0, v2, v0;
	v2 =	vld [tilespmem:s14+$0x380];
	vm15 =	veq.s32 v6, v7;
	vm6 =	vlt.s32 v5, v4  }
0x21: {  	v3 =	vld [tilespmem:s14+$0x180];
	vm7 =	veq.s32 v6, v1;
	vm3 =	vlt.s32 v5, v0;
	vm8 =	vgt.s32 v6, v1  }
0x22: {  	vm9 =	vgt.s32 v6, v7;
	vm0 =	vmand vm15, vm6;
	vm2 =	vmand vm7, vm3  }
0x23: {  	vm1 =	vmor vm8, vm2;
	vm0 =	vmor vm9, vm0  }
0x24: {  	v7 =	vsel vm0, v6, v7;
	v4 =	vsel vm0, v5, v4;
	v6 =	vsel vm1, v6, v1  }
0x25: {  	v1 =	vsel vm1, v1, v7;
	v4 =	vsel vm1, v0, v4;
	v0 =	vsel vm1, v5, v0  }
0x26: {  	vm13 =	veq.s32 v3, v6;
	vm11 =	veq.s32 v3, v1;
	vm12 =	vlt.s32 v2, v4  }
0x27: {  	vm10 =	vgt.s32 v3, v1;
	vm4 =	vlt.s32 v2, v0;
	vm1 =	vmand vm11, vm12  }
0x28: {  	vm14 =	vgt.s32 v3, v6;
	vm3 =	vmand vm13, vm4;
	vm0 =	vmor vm10, vm1  }
0x29: {  	vm15 =	vmor vm14, vm3;
	v1 =	vsel vm0, v3, v1  }
0x2a: {  	v3 =	vsel vm15, v3, v6;
	v1 =	vsel vm15, v6, v1  }
0x2b: {  	v61 =	vshra.s32 v3, $0x1F;
	v62 =	vshra.s32 v1, $0x1F  }
0x2c: {  	v63 =	vld [tilespmem:s13+$0x0];
	v5 =	vand.u32 $0x7FFFFFFF, v61;
	v6 =	vand.u32 $0x7FFFFFFF, v62  }
0x2d: {  	v3 =	vxor.u32 v3, v5;
	v1 =	vxor.u32 v1, v6  }
0x2e: {  	v1 =	vsub.f32 v1, v3;
	_ =	sdelay $0x1  }
0x2f: {  	v1 =	vmul.f32 $1.442695020e+00, v1  }
0x30: {  	(erf) = vrcp.f32 v63  }
0x31: {  	(erf) = vpow2.f32 v1;
	_ =	sdelay $0x3  }
0x32: {  	v1 =	vsel vm0, v2, v4  }
0x33: {  	s30 =	simm.s32 $0x0;
	v1 =	vsel vm15, v0, v1  }
0x34: {  	s13 =	sand.u32 $0xFFFFFF00, s30;
	v0 =	vsel vm15, v2, v0  }
0x35: {  	s19 =	sor.u32 s12, s13  }
0x36: {  	s31 =	simm.s32 $0x10;
	[tilespmem:s19+$0x2C80] =	vst v1;
	v1 =	vpop (erf)  }
0x37: {  	s20 =	simm.s32 $0x2;
	s18 =	simm.s32 $0x80;
	s15 =	simm.s32 $0x20;
	[tilespmem:s19+$0x2C00] =	vst v0;
	v0 =	vpop (erf)  }
0x38: {  	s13 =	simm.s32 $0x1;
	s12 =	sand.u32 $0x70, s31;
	s14 =	simm.s32 $0x2010;
	[tilespmem:s19+$0x2400] =	vst v1;
	v0 =	vmul.f32 v0, v1  }
.LBB2_2:
0x39: {  	s17 =	sand.u32 $0x70, s15  }
0x3a: {  	s21 =	sand.u32 $0x3FFFFC00, s18;
	s18 =	smov.u32 s20;
	s16 =	sadd.s32 $0x1, s20  }
0x3b: {  	p0 =	sne.s32 s20, $0x3F;
	s20 =	sor.u32 s12, s21;
	[tilespmem:s19+$0x2480] =	vst v0  }
0x3c: {  	v0 =	vld [tilespmem:s20+$0x200]  }
0x3d: {  	v1 =	vld [tilespmem:s20+$0x0]  }
0x3e: {  	v2 =	vld [tilespmem:s20+$0x280]  }
0x3f: {  	v3 =	vld [tilespmem:s20+$0x80];
	_ =	sdelay $0x1  }
0x40: {  	v4 =	vshra.s32 v0, $0x1F  }
0x41: {  	vm0 =	veq.s32 v1, $0x80000000;
	v4 =	vand.u32 v4, v0;
	v5 =	vld [tilespmem:s20+$0x300]  }
0x42: {  	v0 =	vsel vm0, v4, v0;
	v4 =	vshra.s32 v2, $0x1F;
	v6 =	vld [tilespmem:s20+$0x100]  }
0x43: {  	vm0 =	vgt.s32 v3, v1;
	vm1 =	veq.s32 v3, v1;
	vm2 =	vlt.s32 v2, v0  }
0x44: {  	v4 =	vand.u32 v4, v2;
	vm1 =	vmand vm1, vm2;
	vm2 =	veq.s32 v3, $0x80000000  }
0x45: {  	vm0 =	vmor vm0, vm1;
	v4 =	vsel vm2, v4, v2  }
0x46: {  	v7 =	vsel vm0, v1, v3;
	v4 =	vsel vm0, v0, v4;
	v1 =	vsel vm0, v3, v1  }
0x47: {  	v0 =	vsel vm0, v2, v0;
	vm0 =	veq.s32 v6, v7;
	vm1 =	vlt.s32 v5, v4;
	v2 =	vld [tilespmem:s20+$0x380]  }
0x48: {  	vm2 =	veq.s32 v6, v1;
	vm3 =	vlt.s32 v5, v0;
	vm0 =	vmand vm0, vm1;
	v3 =	vld [tilespmem:s20+$0x180]  }
0x49: {  	vm1 =	vgt.s32 v6, v1;
	vm2 =	vmand vm2, vm3;
	vm3 =	vgt.s32 v6, v7  }
0x4a: {  	vm1 =	vmor vm1, vm2;
	vm0 =	vmor vm3, vm0  }
0x4b: {  	v7 =	vsel vm0, v6, v7;
	v4 =	vsel vm0, v5, v4;
	v6 =	vsel vm1, v6, v1  }
0x4c: {  	v1 =	vsel vm1, v1, v7;
	v4 =	vsel vm1, v0, v4;
	v0 =	vsel vm1, v5, v0  }
0x4d: {  	vm2 =	vlt.s32 v2, v4;
	vm0 =	vgt.s32 v3, v1;
	vm1 =	veq.s32 v3, v1  }
0x4e: {  	vm4 =	vlt.s32 v2, v0;
	vm3 =	veq.s32 v3, v6;
	vm1 =	vmand vm1, vm2  }
0x4f: {  	s19 =	sshll.u32 s13, $0x5;
	s13 =	smov.u32 s18;
	vm2 =	vgt.s32 v3, v6;
	vm3 =	vmand vm3, vm4;
	vm0 =	vmor vm0, vm1  }
0x50: {  	s18 =	sand.u32 $0xFFFFFF00, s19;
	vm1 =	vmor vm2, vm3;
	v1 =	vsel vm0, v3, v1;
	v4 =	vsel vm0, v2, v4  }
0x51: {  	s19 =	sor.u32 s12, s18;
	s12 =	smov.u32 s17;
	v3 =	vsel vm1, v3, v6;
	v1 =	vsel vm1, v6, v1;
	v4 =	vsel vm1, v0, v4;
	v5 =	vld [tilespmem:s14+$0x0]  }
0x52: {  	v0 =	vsel vm1, v2, v0;
	v2 =	vshra.s32 v3, $0x1F;
	v6 =	vshra.s32 v1, $0x1F;
	[tilespmem:s19+$0x2C80] =	vst v4  }
0x53: {  	v2 =	vand.u32 $0x7FFFFFFF, v2;
	v4 =	vand.u32 $0x7FFFFFFF, v6;
	[tilespmem:s19+$0x2C00] =	vst v0  }
0x54: {  	v0 =	vxor.u32 v3, v2;
	v1 =	vxor.u32 v1, v4  }
0x55: {  	v0 =	vsub.f32 v1, v0;
	_ =	sdelay $0x1  }
0x56: {  	v0 =	vmul.f32 $1.442695020e+00, v0  }
0x57: {  	(erf) = vrcp.f32 v5  }
0x58: {  	(erf) = vpow2.f32 v0;
	_ =	sdelay $0x5  }
.Ltmp0:
0x59: {  	(pc) =	sbr.rel @p0 .LBB2_2-.Ltmp0, $4  }
0x5a: {  	_ = 	snop  }
0x5b: {  	v0 =	vpop (erf)  }
0x5c: {  	s15 =	sadd.s32 $0x10, s15;
	[tilespmem:s19+$0x2400] =	vst v0;
	v1 =	vpop (erf)  }
0x5d: {  	s18 =	sshll.u32 s13, $0x7;
	s20 =	smov.u32 s16;
	s14 =	sadd.s32 $0x10, s14;
	v0 =	vmul.f32 v1, v0  }
0x5e: {  	s15 =	sand.u32 $0x3FFFFC00, s18  }
0x5f: {  	s15 =	sor.u32 s12, s15;
	[tilespmem:s19+$0x2480] =	vst v0  }
0x60: {  	v0 =	vld [tilespmem:s15+$0x200]  }
0x61: {  	v1 =	vld [tilespmem:s15+$0x0]  }
0x62: {  	v2 =	vld [tilespmem:s15+$0x280]  }
0x63: {  	v3 =	vld [tilespmem:s15+$0x80];
	_ =	sdelay $0x1  }
0x64: {  	v4 =	vshra.s32 v0, $0x1F  }
0x65: {  	v5 =	vld [tilespmem:s15+$0x300];
	vm0 =	veq.s32 v1, $0x80000000;
	v4 =	vand.u32 v4, v0  }
0x66: {  	v6 =	vld [tilespmem:s15+$0x100];
	v54 =	vshra.s32 v2, $0x1F;
	v0 =	vsel vm0, v4, v0  }
0x67: {  	vm13 =	vgt.s32 v3, v1;
	vm1 =	veq.s32 v3, v1;
	vm2 =	vlt.s32 v2, v0  }
0x68: {  	vm14 =	veq.s32 v3, $0x80000000;
	v4 =	vand.u32 v54, v2;
	vm1 =	vmand vm1, vm2  }
0x69: {  	v4 =	vsel vm14, v4, v2;
	vm0 =	vmor vm13, vm1  }
0x6a: {  	v7 =	vsel vm0, v1, v3;
	v4 =	vsel vm0, v0, v4;
	v1 =	vsel vm0, v3, v1  }
0x6b: {  	v55 =	vld [tilespmem:s15+$0x380];
	v0 =	vsel vm0, v2, v0;
	vm15 =	veq.s32 v6, v7;
	vm6 =	vlt.s32 v5, v4  }
0x6c: {  	v56 =	vld [tilespmem:s15+$0x180];
	vm7 =	veq.s32 v6, v1;
	vm3 =	vlt.s32 v5, v0;
	vm8 =	vgt.s32 v6, v1  }
0x6d: {  	vm9 =	vgt.s32 v6, v7;
	vm0 =	vmand vm15, vm6;
	vm2 =	vmand vm7, vm3  }
0x6e: {  	vm1 =	vmor vm8, vm2;
	vm0 =	vmor vm9, vm0  }
0x6f: {  	v7 =	vsel vm0, v6, v7;
	v4 =	vsel vm0, v5, v4;
	v6 =	vsel vm1, v6, v1  }
0x70: {  	v1 =	vsel vm1, v1, v7;
	v4 =	vsel vm1, v0, v4;
	v0 =	vsel vm1, v5, v0  }
0x71: {  	vm13 =	veq.s32 v56, v6;
	vm11 =	veq.s32 v56, v1;
	vm12 =	vlt.s32 v55, v4  }
0x72: {  	vm10 =	vgt.s32 v56, v1;
	vm4 =	vlt.s32 v55, v0;
	vm1 =	vmand vm11, vm12  }
0x73: {  	vm14 =	vgt.s32 v56, v6;
	vm3 =	vmand vm13, vm4;
	vm0 =	vmor vm10, vm1  }
0x74: {  	vm15 =	vmor vm14, vm3;
	v1 =	vsel vm0, v56, v1  }
0x75: {  	v3 =	vsel vm15, v56, v6;
	v1 =	vsel vm15, v6, v1  }
0x76: {  	v57 =	vshra.s32 v3, $0x1F;
	v58 =	vshra.s32 v1, $0x1F  }
0x77: {  	v59 =	vld [tilespmem:s14+$0x0];
	v5 =	vand.u32 $0x7FFFFFFF, v57;
	v6 =	vand.u32 $0x7FFFFFFF, v58  }
0x78: {  	v3 =	vxor.u32 v3, v5;
	v1 =	vxor.u32 v1, v6  }
0x79: {  	v1 =	vsub.f32 v1, v3;
	_ =	sdelay $0x1  }
0x7a: {  	v1 =	vmul.f32 $1.442695020e+00, v1  }
0x7b: {  	(erf) = vrcp.f32 v59  }
0x7c: {  	(erf) = vpow2.f32 v1;
	_ =	sdelay $0x5  }
0x7d: {  	s13 =	sshll.u32 s13, $0x5  }
0x7e: {  	s13 =	sand.u32 $0xFFFFFF00, s13  }
0x7f: {  	s31 =	sor.u32 s12, s13;
	v61 =	vpop (erf);
	v60 =	vsel vm0, v55, v4  }
0x80: {  	[tilespmem:s31+$0x2400] =	vst v61;
	v1 =	vsel vm15, v0, v60;
	v62 =	vpop (erf)  }
0x81: {  	v0 =	vsel vm15, v55, v0;
	[tilespmem:s31+$0x2C80] =	vst v1;
	v63 =	vmul.f32 v62, v61  }
0x82: {  	[tilespmem:s31+$0x2C00] =	vst v0  }
0x83: {  	[tilespmem:s31+$0x2480] =	vst v63  }
0x84: {  	[hbm4b:s5+s2] =	stream.linear.scatter [tilespmem:s9], [sflag:$0x1], $0x800, $0x38;
	[tilespmem:$0x3400] =	vst v63  }
0x85: {  	s11 =	sadd.s32 $0x1, s11;
	_ =	swait.ge [sflag:s8], $0x800  }
0x86: {  	p0 =	sne.s32 s11, s7;
	[sflag:s8] =	ssyncset.done $0x0  }
.Ltmp1:
0x87: {  	[sflag:s8] =	ssyncadd.s32 $0xFFFFF800;
	(pc) =	sbr.rel @p0 .LBB2_1-.Ltmp1, $4  }
0x88: {  	[hbm4b:s6+s2] =	stream.linear.scatter [tilespmem:s10], [sflag:$0x1], $0x800, $0x38;
	[tilespmem:$0x3400] =	vst v63  }
0x89: {  	_ =	swait.ge [sflag:s8], $0x800  }
0x8a: {  	[sflag:s8] =	ssyncset.done $0x0  }
0x8b: {  	[sflag:s8] =	ssyncadd.s32 $0xFFFFF800  }
0x8c: {  	_ =	sfence.sel $0x180000  }
0x8d: {  	[bflag:$0x0] =	sbarrier.arrive $0xFFFF  }
0x8e: {  	p0 =	sne.s32 s1, $0x0;
	_ =	strace $0x90000047  }
0x8f: {  	s0 =	sadd.s32 @!p0 $0x100000, s0;
	[bflag:$0x2] =	sbarrier.arrive $0xFFFF  }
0x90: {  	[sflag:s0] =	ssyncadd.tile.s32 @!p0 $0x1;
	_ =	shalt  }
.Lfunc_end2:
_tile_overlayer_lowered:
.L_overlay_start_2:
0x91: {  	(tag) =	ssettag $0x2  }
0x92: {  	s0 =	rddreg [dreg:$0x0];
	s2 =	stileid.u32  }
0x93: {  	s1 =	rddreg [dreg:$0x1];
	p0 =	sne.s32 s2, $0x0  }
0x94: {  	s3 =	rddreg [dreg:$0x2];
	[bflag:$0x3] =	sbarrier.arrive $0xFFFF;
	s2 =	simm.s32 @!p0 $0x1C01  }
0x95: {  	[timem:s3], [sflag:s2] =	dma.local @!p0 [hbm:s0], s1  }
0x96: {  	s0 =	simm.s32 @!p0 $0x1  }
0x97: {  	_ =	swait.ge @!p0 [sflag:s0], s1  }
0x98: {  	s1 =	ssub.s32 @!p0 $0x0, s1;
	[sflag:s0] =	ssyncset.done @!p0 $0x0  }
0x99: {  	[sflag:s0] =	ssyncadd.s32 @!p0 s1  }
0x9a: {  	[bflag:$0x3] =	sbarrier.arrive $0xFFFF  }
0x9b: {  	_ =	shalt  }

</sc_bundles>
